<compile_context>
chip_gen: v7x
topology: tpu7x:2x2x1
jax: 0.10.2.dev20260603
libtpu: 0.0.44.dev20260713+nightly
codegen_flags: <defaults>
</compile_context>

<pallas_src>
import functools
import numpy as np
import jax
import jax.numpy as jnp
from jax import lax
from jax.experimental import pallas as pl
from jax.experimental.pallas import tpu as pltpu
from jax.experimental.pallas import tpu_sc as plsc

_B, _N, _M, _C, _K = 4, 8192, 2048, 64, 32
_R2 = np.float32(np.float64(0.4) * np.float64(0.4))
_EPS = np.float32(1e-5)
_P = _B * _M * _K

_MB = 256
_CN = 512
_NCH = _N // _CN


def _ballq_body(q_ref, pt_ref, idx_ref, cnt_ref, slots_ref):
    b = pl.program_id(0)
    cnt_ref[...] = jnp.zeros((_MB, 1), jnp.float32)
    slots_ref[...] = jnp.zeros((_MB, _K), jnp.float32)
    qb = q_ref[0]
    q2 = jnp.sum(qb * qb, axis=1, keepdims=True)
    rowi = lax.broadcasted_iota(jnp.int32, (_CN, _CN), 0)
    coli = lax.broadcasted_iota(jnp.int32, (_CN, _CN), 1)
    tri = jnp.where(rowi <= coli, 1.0, 0.0).astype(jnp.float32)
    lane = lax.broadcasted_iota(jnp.int32, (_MB, _CN), 1).astype(jnp.float32)
    kcol = lax.broadcasted_iota(jnp.int32, (_MB, _K), 1).astype(jnp.float32)

    def chunk(c, carry):
        @pl.when(jnp.min(cnt_ref[...]) < float(_K))
        def _():
            cnt = cnt_ref[...]
            pc = pt_ref[0, c]
            p2 = jnp.sum(pc * pc, axis=0, keepdims=True)
            qp = lax.dot_general(qb, pc, (((1,), (0,)), ((), ())),
                                 preferred_element_type=jnp.float32)
            d2 = (q2 + p2) - 2.0 * qp
            maskf = jnp.where(d2 <= _R2, 1.0, 0.0).astype(jnp.float32)
            r = jnp.dot(maskf, tri, preferred_element_type=jnp.float32) + cnt
            nval = (lane + (c * _CN + 1).astype(jnp.float32)) * maskf

            def kstep(k, slots):
                kf = (k + 1).astype(jnp.float32)
                cand = jnp.where(r == kf, nval, 0.0)
                v = jnp.max(cand, axis=1, keepdims=True)
                return jnp.maximum(slots, jnp.where(kcol == kf - 1.0, v, 0.0))

            slots_ref[...] = lax.fori_loop(0, _K, kstep, slots_ref[...])
            cnt_ref[...] = cnt + jnp.sum(maskf, axis=1, keepdims=True)
        return carry

    lax.fori_loop(0, _NCH, chunk, 0)
    slots = slots_ref[...]
    first = slots[:, 0:1]
    filled = jnp.where(slots > 0.0, slots, jnp.maximum(first, 1.0))
    idx_ref[0] = (filled - 1.0).astype(jnp.int32) + b * _N


def _ball_query(q, pt_r):
    return pl.pallas_call(
        _ballq_body,
        grid=(_B, _M // _MB),
        in_specs=[
            pl.BlockSpec((1, _MB, 3), lambda b, m: (b, m, 0)),
            pl.BlockSpec((1, _NCH, 3, _CN), lambda b, m: (b, 0, 0, 0)),
        ],
        out_specs=pl.BlockSpec((1, _MB, _K), lambda b, m: (b, m, 0)),
        out_shape=jax.ShapeDtypeStruct((_B, _M, _K), jnp.int32),
        scratch_shapes=[
            pltpu.VMEM((_MB, 1), jnp.float32),
            pltpu.VMEM((_MB, _K), jnp.float32),
        ],
    )(q, pt_r)


_DROW = 128
_NW = 32
_RPW = _P // _NW
_GCH = 128
_NJ = _RPW // _GCH


def _sc_gather(table, idx3):
    mesh = plsc.VectorSubcoreMesh(core_axis_name="c", subcore_axis_name="s")

    @functools.partial(
        pl.kernel,
        out_type=jax.ShapeDtypeStruct((_P, _DROW), jnp.float32),
        mesh=mesh,
        scratch_types=[
            pltpu.VMEM((_NJ, _GCH), jnp.int32),
            pltpu.VMEM((_GCH, _DROW), jnp.float32),
            pltpu.VMEM((_GCH, _DROW), jnp.float32),
            pltpu.SemaphoreType.DMA,
            pltpu.SemaphoreType.DMA,
        ],
    )
    def gather_k(table_hbm, idx_hbm, out_hbm, idx_v, rows_a, rows_b, sem_a, sem_b):
        wid = lax.axis_index("s") * 2 + lax.axis_index("c")
        base = wid * _RPW
        pltpu.sync_copy(idx_hbm.at[wid], idx_v)
        bufs = (rows_a, rows_b)
        sems = (sem_a, sem_b)

        def step(j, _):
            for t in range(2):
                jj = j + t
                cp = pltpu.async_copy(
                    table_hbm.at[idx_v.at[jj]], bufs[t], sems[t])
                cp.wait()
                pltpu.sync_copy(
                    bufs[t], out_hbm.at[pl.ds(base + jj * _GCH, _GCH)])
            return 0

        lax.fori_loop(0, _NJ // 2, lambda j, c: step(j * 2, c), 0)

    return gather_k(table, idx3)


_QB = 64
_RB = _QB * _K


def _l0_body(g_ref, qp_ref, w_ref, b_ref, h_ref, s_ref, ss_ref):
    @pl.when(pl.program_id(0) == 0)
    def _():
        s_ref[...] = jnp.zeros_like(s_ref)
        ss_ref[...] = jnp.zeros_like(ss_ref)
    xh = g_ref[...] - qp_ref[...]
    xh = xh.reshape(_RB, _DROW)
    h = jnp.dot(xh, w_ref[...], preferred_element_type=jnp.float32) + b_ref[...]
    h_ref[...] = h
    s_ref[...] += jnp.sum(h, axis=0, keepdims=True)
    ss_ref[...] += jnp.sum(h * h, axis=0, keepdims=True)


def _layer0(g3, qpad, w0c, b0):
    nblk = (_B * _M) // _QB
    return pl.pallas_call(
        _l0_body,
        grid=(nblk,),
        in_specs=[
            pl.BlockSpec((_QB, _K, _DROW), lambda i: (i, 0, 0)),
            pl.BlockSpec((_QB, 1, _DROW), lambda i: (i, 0, 0)),
            pl.BlockSpec((_DROW, _C), lambda i: (0, 0)),
            pl.BlockSpec((1, _C), lambda i: (0, 0)),
        ],
        out_specs=[
            pl.BlockSpec((_RB, _C), lambda i: (i, 0)),
            pl.BlockSpec((1, _C), lambda i: (0, 0)),
            pl.BlockSpec((1, _C), lambda i: (0, 0)),
        ],
        out_shape=[
            jax.ShapeDtypeStruct((_P, _C), jnp.float32),
            jax.ShapeDtypeStruct((1, _C), jnp.float32),
            jax.ShapeDtypeStruct((1, _C), jnp.float32),
        ],
    )(g3, qpad, w0c, b0)


def _l1_body(h_ref, sc_ref, sh_ref, w_ref, b_ref, o_ref, s_ref, ss_ref):
    @pl.when(pl.program_id(0) == 0)
    def _():
        s_ref[...] = jnp.zeros_like(s_ref)
        ss_ref[...] = jnp.zeros_like(ss_ref)
    a = jnp.maximum(h_ref[...] * sc_ref[...] + sh_ref[...], 0.0)
    h = jnp.dot(a, w_ref[...], preferred_element_type=jnp.float32) + b_ref[...]
    o_ref[...] = h
    s_ref[...] += jnp.sum(h, axis=0, keepdims=True)
    ss_ref[...] += jnp.sum(h * h, axis=0, keepdims=True)


def _layer1(h0, scale0, shift0, w1t, b1):
    nblk = _P // _RB
    return pl.pallas_call(
        _l1_body,
        grid=(nblk,),
        in_specs=[
            pl.BlockSpec((_RB, _C), lambda i: (i, 0)),
            pl.BlockSpec((1, _C), lambda i: (0, 0)),
            pl.BlockSpec((1, _C), lambda i: (0, 0)),
            pl.BlockSpec((_C, _C), lambda i: (0, 0)),
            pl.BlockSpec((1, _C), lambda i: (0, 0)),
        ],
        out_specs=[
            pl.BlockSpec((_RB, _C), lambda i: (i, 0)),
            pl.BlockSpec((1, _C), lambda i: (0, 0)),
            pl.BlockSpec((1, _C), lambda i: (0, 0)),
        ],
        out_shape=[
            jax.ShapeDtypeStruct((_P, _C), jnp.float32),
            jax.ShapeDtypeStruct((1, _C), jnp.float32),
            jax.ShapeDtypeStruct((1, _C), jnp.float32),
        ],
    )(h0, scale0, shift0, w1t, b1)


_C2 = 128


def _l2_body(h_ref, sc_ref, sh_ref, w_ref, b_ref,
             mx_ref, mn_ref, s_ref, ss_ref):
    @pl.when(pl.program_id(0) == 0)
    def _():
        s_ref[...] = jnp.zeros_like(s_ref)
        ss_ref[...] = jnp.zeros_like(ss_ref)
    a = jnp.maximum(h_ref[...] * sc_ref[...] + sh_ref[...], 0.0)
    h = jnp.dot(a, w_ref[...], preferred_element_type=jnp.float32) + b_ref[...]
    s_ref[...] += jnp.sum(h, axis=0, keepdims=True)
    ss_ref[...] += jnp.sum(h * h, axis=0, keepdims=True)
    h3 = h.reshape(_QB, _K, _C2)
    mx_ref[...] = jnp.max(h3, axis=1)
    mn_ref[...] = jnp.min(h3, axis=1)


def _layer2(h1, scale1, shift1, w2t, b2):
    nblk = _P // _RB
    bm = _B * _M
    return pl.pallas_call(
        _l2_body,
        grid=(nblk,),
        in_specs=[
            pl.BlockSpec((_RB, _C), lambda i: (i, 0)),
            pl.BlockSpec((1, _C), lambda i: (0, 0)),
            pl.BlockSpec((1, _C), lambda i: (0, 0)),
            pl.BlockSpec((_C, _C2), lambda i: (0, 0)),
            pl.BlockSpec((1, _C2), lambda i: (0, 0)),
        ],
        out_specs=[
            pl.BlockSpec((_QB, _C2), lambda i: (i, 0)),
            pl.BlockSpec((_QB, _C2), lambda i: (i, 0)),
            pl.BlockSpec((1, _C2), lambda i: (0, 0)),
            pl.BlockSpec((1, _C2), lambda i: (0, 0)),
        ],
        out_shape=[
            jax.ShapeDtypeStruct((bm, _C2), jnp.float32),
            jax.ShapeDtypeStruct((bm, _C2), jnp.float32),
            jax.ShapeDtypeStruct((1, _C2), jnp.float32),
            jax.ShapeDtypeStruct((1, _C2), jnp.float32),
        ],
    )(h1, scale1, shift1, w2t, b2)


def _fin_body(mx_ref, mn_ref, sc_ref, sh_ref, o_ref):
    sc = sc_ref[...]
    ext = jnp.where(sc >= 0.0, mx_ref[...], mn_ref[...])
    o_ref[...] = jnp.maximum(ext * sc + sh_ref[...], 0.0)


def _final(mx, mn, scale2, shift2):
    bm = _B * _M
    rb = 512
    return pl.pallas_call(
        _fin_body,
        grid=(bm // rb,),
        in_specs=[
            pl.BlockSpec((rb, _C2), lambda i: (i, 0)),
            pl.BlockSpec((rb, _C2), lambda i: (i, 0)),
            pl.BlockSpec((1, _C2), lambda i: (0, 0)),
            pl.BlockSpec((1, _C2), lambda i: (0, 0)),
        ],
        out_specs=pl.BlockSpec((rb, _C2), lambda i: (i, 0)),
        out_shape=jax.ShapeDtypeStruct((bm, _C2), jnp.float32),
    )(mx, mn, scale2, shift2)


def _bn_coeffs(s, ss, g, be):
    mean = s / float(_P)
    var = ss / float(_P) - mean * mean
    inv = 1.0 / jnp.sqrt(var + _EPS)
    scale = g[None, :] * inv
    shift = be[None, :] - mean * scale
    return scale, shift


def kernel(p, q, x, W0, b0, g0, be0, W1, b1, g1, be1, W2, b2, g2, be2):
    pt = jnp.transpose(p, (0, 2, 1))
    pt_r = pt.reshape(_B, 3, _NCH, _CN).transpose(0, 2, 1, 3)
    idx = _ball_query(q, pt_r)
    idx3 = idx.reshape(_NW, _NJ, _GCH)

    ppad = jnp.pad(p, ((0, 0), (0, 0), (0, 13)))
    xt = jnp.transpose(x, (0, 2, 1))
    table = jnp.concatenate(
        [ppad, xt, jnp.zeros((_B, _N, _DROW - 16 - _C), jnp.float32)],
        axis=2).reshape(_B * _N, _DROW)

    g = _sc_gather(table, idx3)

    g3 = g.reshape(_B * _M, _K, _DROW)
    qpad = jnp.pad(q, ((0, 0), (0, 0), (0, _DROW - 3)))
    qpad = qpad.reshape(_B * _M, 1, _DROW)

    w0c = jnp.zeros((_DROW, _C), jnp.float32)
    w0c = w0c.at[0:3].set(W0[:, 0:3].T).at[16:16 + _C].set(W0[:, 3:].T)

    h0, s0, ss0 = _layer0(g3, qpad, w0c, b0[None, :])
    scale0, shift0 = _bn_coeffs(s0, ss0, g0, be0)
    h1, s1, ss1 = _layer1(h0, scale0, shift0, W1.T, b1[None, :])
    scale1, shift1 = _bn_coeffs(s1, ss1, g1, be1)
    mx, mn, s2, ss2 = _layer2(h1, scale1, shift1, W2.T, b2[None, :])
    scale2, shift2 = _bn_coeffs(s2, ss2, g2, be2)
    out_bm = _final(mx, mn, scale2, shift2)
    out = out_bm.reshape(_B, _M, _C2).transpose(0, 2, 1)
    return (q, out)

# --- scband reference (transcript-rebuilt; emitter-appended) ---
"""Pipeline reference for scband-set-abstraction-7765300871439 (READ-ONLY COPY).

The authoritative reference and input builder live on the scoring server;
editing this copy changes nothing except your own understanding.
"""

import jax, jax.numpy as jnp
import numpy as np

RADIUS = 0.4
K = 32
B, N, M, C = 4, 8192, 2048, 64

def ball_query(p, q):
    p2 = jnp.sum(p * p, axis=-1)
    q2 = jnp.sum(q * q, axis=-1)
    qp = jnp.einsum('bmd,bnd->bmn', q, p)
    d2 = q2[:, :, None] + p2[:, None, :] - 2.0 * qp
    n = p.shape[1]
    ar = jnp.arange(n, dtype=jnp.int32)
    idx = jnp.where(d2 <= RADIUS * RADIUS, ar[None, None, :], jnp.int32(n))
    idx = jnp.sort(idx, axis=-1)[:, :, :K]
    first = idx[:, :, :1]
    first = jnp.where(first == n, jnp.int32(0), first)
    idx = jnp.where(idx == n, jnp.broadcast_to(first, idx.shape), idx)
    return idx

def gather_groups(t, idx):
    bi = jnp.arange(t.shape[0])[:, None, None]
    return t[bi, idx]

def conv_bn_relu(h, W, b, g, be):
    h = jnp.einsum('oc,bcmk->bomk', W, h) + b[None, :, None, None]
    mean = jnp.mean(h, axis=(0, 2, 3), keepdims=True)
    var = jnp.var(h, axis=(0, 2, 3), keepdims=True)
    h = (h - mean) / jnp.sqrt(var + 1e-5)
    return jax.nn.relu(h * g[None, :, None, None] + be[None, :, None, None])

def setup_inputs(seed: int = 0):
    key = jax.random.key(seed)
    ks = jax.random.split(key, 8)
    p = jax.random.uniform(ks[0], (B, N, 3), dtype=jnp.float32)
    q = jax.random.uniform(ks[1], (B, M, 3), dtype=jnp.float32)
    x = jax.random.normal(ks[2], (B, C, N), dtype=jnp.float32)
    W0 = jax.random.normal(ks[3], (64, 3 + C), dtype=jnp.float32) * 0.1
    b0 = jnp.zeros((64,), jnp.float32)
    g0 = jnp.ones((64,), jnp.float32)
    be0 = jnp.zeros((64,), jnp.float32)
    W1 = jax.random.normal(ks[4], (64, 64), dtype=jnp.float32) * 0.1
    b1 = jnp.zeros((64,), jnp.float32)
    g1 = jnp.ones((64,), jnp.float32)
    be1 = jnp.zeros((64,), jnp.float32)
    W2 = jax.random.normal(ks[5], (128, 64), dtype=jnp.float32) * 0.1
    b2 = jnp.zeros((128,), jnp.float32)
    g2 = jnp.ones((128,), jnp.float32)
    be2 = jnp.zeros((128,), jnp.float32)
    return {"p": p, "q": q, "x": x, "W0": W0, "b0": b0, "g0": g0, "be0": be0, "W1": W1, "b1": b1, "g1": g1, "be1": be1, "W2": W2, "b2": b2, "g2": g2, "be2": be2}

def reference(p, q, x, W0, b0, g0, be0, W1, b1, g1, be1, W2, b2, g2, be2):
    idx = ball_query(p, q)
    gp = gather_groups(p, idx)
    p_hat = gp - q[:, :, None, :]
    xt = jnp.transpose(x, (0, 2, 1))
    gx = gather_groups(xt, idx)
    x_hat = jnp.concatenate([p_hat, gx], axis=-1)
    h = jnp.transpose(x_hat, (0, 3, 1, 2))
    h = conv_bn_relu(h, W0, b0, g0, be0)
    h = conv_bn_relu(h, W1, b1, g1, be1)
    h = conv_bn_relu(h, W2, b2, g2, be2)
    out = jnp.max(h, axis=3)
    return (q, out)

if __name__ == "__main__":
    import jax
    _d = setup_inputs()
    print(jax.jit(kernel)(*tuple(_d.values())))

</pallas_src>

<mosaic_0001>
#map = affine_map<(d0, d1) -> (0, 0)>
#map1 = affine_map<(d0, d1) -> (0, 0, 0)>
module attributes {stable_mosaic.version = 14 : i64} {
  func.func @gather_k(%arg0: i32, %arg1: i32, %arg2: memref<32768x128xf32, #tpu.memory_space<hbm>>, %arg3: memref<32x64x128xi32, #tpu.memory_space<hbm>>, %arg4: memref<262144x128xf32, #tpu.memory_space<hbm>>, %arg5: memref<64x128xi32, #tpu.memory_space<vmem>>, %arg6: memref<128x128xf32, #tpu.memory_space<vmem>>, %arg7: memref<128x128xf32, #tpu.memory_space<vmem>>, %arg8: memref<!tpu.dma_semaphore, #tpu.memory_space<semaphore_mem>>, %arg9: memref<!tpu.dma_semaphore, #tpu.memory_space<semaphore_mem>>) attributes {dimension_semantics = [#tpu.dimension_semantics<core_parallel>, #tpu.dimension_semantics<subcore_parallel>], iteration_bounds = array<i64: 2, 16>, scalar_prefetch = 0 : i64, scratch_operands = 5 : i64, tpu.core_type = #tpu.core_type<sc_vector_subcore>, window_params = [{transform_indices = #map}, {transform_indices = #map1}, {transform_indices = #map}]} {
    %mul3A = arith.constant 2 : i32
    %mul3A_0 = arith.muli %arg1, %mul3A : i32
    %add3A = arith.addi %mul3A_0, %arg0 : i32
    %mul3A_1 = arith.constant 8192 : i32
    %mul3A_2 = arith.muli %add3A, %mul3A_1 : i32
    "tpu.region"() ({
      %run_scoped3A = tpu.sem_alloc : memref<!tpu.dma_semaphore, #tpu.memory_space<semaphore_mem>>
      %dma_start3A = arith.constant 0 : i32
      %dma_start3A_9 = arith.constant 0 : i32
      %dma_start3A_10 = tpu.memref_slice %arg3[%add3A, %dma_start3A, %dma_start3A_9] : memref<32x64x128xi32, #tpu.memory_space<hbm>> -> memref<1x64x128xi32, #tpu.memory_space<hbm>>
      %dma_start3A_11 = tpu.memref_squeeze %dma_start3A_10 : memref<1x64x128xi32, #tpu.memory_space<hbm>> -> memref<64x128xi32, #tpu.memory_space<hbm>>
      %dma_start3A_12 = arith.constant 0 : i32
      %dma_start3A_13 = arith.constant 0 : i32
      %dma_start3A_14 = tpu.memref_slice %arg3[%add3A, %dma_start3A_12, %dma_start3A_13] : memref<32x64x128xi32, #tpu.memory_space<hbm>> -> memref<1x64x128xi32, #tpu.memory_space<hbm>>
      %dma_start3A_15 = tpu.memref_squeeze %dma_start3A_14 : memref<1x64x128xi32, #tpu.memory_space<hbm>> -> memref<64x128xi32, #tpu.memory_space<hbm>>
      tpu.enqueue_dma source(%dma_start3A_15 : memref<64x128xi32, #tpu.memory_space<hbm>>) target(%arg5 : memref<64x128xi32, #tpu.memory_space<vmem>>) target_semaphore(%run_scoped3A : memref<!tpu.dma_semaphore, #tpu.memory_space<semaphore_mem>>)
      %dma_wait3A = arith.constant 0 : i32
      %dma_wait3A_16 = arith.constant 0 : i32
      %dma_wait3A_17 = tpu.memref_slice %arg3[%add3A, %dma_wait3A, %dma_wait3A_16] : memref<32x64x128xi32, #tpu.memory_space<hbm>> -> memref<1x64x128xi32, #tpu.memory_space<hbm>>
      %dma_wait3A_18 = tpu.memref_squeeze %dma_wait3A_17 : memref<1x64x128xi32, #tpu.memory_space<hbm>> -> memref<64x128xi32, #tpu.memory_space<hbm>>
      %dma_wait3A_19 = arith.constant 0 : i32
      %dma_wait3A_20 = arith.constant 0 : i32
      %dma_wait3A_21 = tpu.memref_slice %arg3[%add3A, %dma_wait3A_19, %dma_wait3A_20] : memref<32x64x128xi32, #tpu.memory_space<hbm>> -> memref<1x64x128xi32, #tpu.memory_space<hbm>>
      %dma_wait3A_22 = tpu.memref_squeeze %dma_wait3A_21 : memref<1x64x128xi32, #tpu.memory_space<hbm>> -> memref<64x128xi32, #tpu.memory_space<hbm>>
      tpu.wait_dma2 semaphore(%run_scoped3A : memref<!tpu.dma_semaphore, #tpu.memory_space<semaphore_mem>>) src(%dma_wait3A_22 : memref<64x128xi32, #tpu.memory_space<hbm>>) dst(%arg5 : memref<64x128xi32, #tpu.memory_space<vmem>>)
      tpu.yield
    }) : () -> ()
    %scan3A = arith.constant 0 : i32
    %scan3A_3 = arith.constant 0 : i32
    %scan3A_4 = arith.constant 32 : i32
    %scan3A_5 = arith.addi %scan3A_3, %scan3A_4 : i32
    %scan3A_6 = arith.constant 1 : i32
    %scan3A_7 = scf.for %scan3A_9 = %scan3A_3 to %scan3A_5 step %scan3A_6 iter_args(%scan3A_10 = %scan3A) -> (i32)  : i32 {
      %mul3A_11 = arith.constant 2 : i32
      %mul3A_12 = arith.muli %scan3A_9, %mul3A_11 : i32
      %add3A_13 = arith.constant 0 : i32
      %add3A_14 = arith.addi %mul3A_12, %add3A_13 : i32
      %dma_start3A = arith.constant 0 : i32
      %dma_start3A_15 = tpu.memref_slice %arg5[%add3A_14, %dma_start3A] : memref<64x128xi32, #tpu.memory_space<vmem>> -> memref<1x128xi32, #tpu.memory_space<vmem>>
      %dma_start3A_16 = tpu.memref_squeeze %dma_start3A_15 : memref<1x128xi32, #tpu.memory_space<vmem>> -> memref<128xi32, #tpu.memory_space<vmem>>
      %dma_start3A_17 = arith.constant 0 : i32
      %dma_start3A_18 = arith.constant 0 : i32
      %dma_start3A_19 = tpu.memref_slice %arg2[%dma_start3A_17, %dma_start3A_18] : memref<32768x128xf32, #tpu.memory_space<hbm>> -> memref<32768x128xf32, #tpu.memory_space<hbm>>
      tpu.enqueue_indirect_dma source(%dma_start3A_19 : memref<32768x128xf32, #tpu.memory_space<hbm>>) target(%arg6 : memref<128x128xf32, #tpu.memory_space<vmem>>) offsets(%dma_start3A_16 : memref<128xi32, #tpu.memory_space<vmem>>) semaphore(%arg8 : memref<!tpu.dma_semaphore, #tpu.memory_space<semaphore_mem>>)
      %dma_wait3A = arith.constant 0 : i32
      %dma_wait3A_20 = tpu.memref_slice %arg5[%add3A_14, %dma_wait3A] : memref<64x128xi32, #tpu.memory_space<vmem>> -> memref<1x128xi32, #tpu.memory_space<vmem>>
      %dma_wait3A_21 = tpu.memref_squeeze %dma_wait3A_20 : memref<1x128xi32, #tpu.memory_space<vmem>> -> memref<128xi32, #tpu.memory_space<vmem>>
      %dma_wait3A_22 = arith.constant 0 : i32
      %dma_wait3A_23 = arith.constant 0 : i32
      %dma_wait3A_24 = tpu.memref_slice %arg2[%dma_wait3A_22, %dma_wait3A_23] : memref<32768x128xf32, #tpu.memory_space<hbm>> -> memref<32768x128xf32, #tpu.memory_space<hbm>>
      tpu.wait_indirect_dma semaphore(%arg8 : memref<!tpu.dma_semaphore, #tpu.memory_space<semaphore_mem>>) src(%dma_wait3A_24 : memref<32768x128xf32, #tpu.memory_space<hbm>>) dst(%arg6 : memref<128x128xf32, #tpu.memory_space<vmem>>)
      %mul3A_25 = arith.constant 128 : i32
      %mul3A_26 = arith.muli %add3A_14, %mul3A_25 : i32
      %add3A_27 = arith.addi %mul3A_2, %mul3A_26 : i32
      "tpu.region"() ({
        %run_scoped3A = tpu.sem_alloc : memref<!tpu.dma_semaphore, #tpu.memory_space<semaphore_mem>>
        %dma_start3A_46 = arith.constant 0 : i32
        %dma_start3A_47 = tpu.memref_slice %arg4[%add3A_27, %dma_start3A_46] : memref<262144x128xf32, #tpu.memory_space<hbm>> -> memref<128x128xf32, #tpu.memory_space<hbm>>
        %dma_start3A_48 = arith.constant 0 : i32
        %dma_start3A_49 = tpu.memref_slice %arg4[%add3A_27, %dma_start3A_48] : memref<262144x128xf32, #tpu.memory_space<hbm>> -> memref<128x128xf32, #tpu.memory_space<hbm>>
        tpu.enqueue_dma source(%arg6 : memref<128x128xf32, #tpu.memory_space<vmem>>) target(%dma_start3A_49 : memref<128x128xf32, #tpu.memory_space<hbm>>) target_semaphore(%run_scoped3A : memref<!tpu.dma_semaphore, #tpu.memory_space<semaphore_mem>>)
        %dma_wait3A_50 = arith.constant 0 : i32
        %dma_wait3A_51 = tpu.memref_slice %arg4[%add3A_27, %dma_wait3A_50] : memref<262144x128xf32, #tpu.memory_space<hbm>> -> memref<128x128xf32, #tpu.memory_space<hbm>>
        %dma_wait3A_52 = arith.constant 0 : i32
        %dma_wait3A_53 = tpu.memref_slice %arg4[%add3A_27, %dma_wait3A_52] : memref<262144x128xf32, #tpu.memory_space<hbm>> -> memref<128x128xf32, #tpu.memory_space<hbm>>
        tpu.wait_dma2 semaphore(%run_scoped3A : memref<!tpu.dma_semaphore, #tpu.memory_space<semaphore_mem>>) src(%arg6 : memref<128x128xf32, #tpu.memory_space<vmem>>) dst(%dma_wait3A_53 : memref<128x128xf32, #tpu.memory_space<hbm>>)
        tpu.yield
      }) : () -> ()
      %add3A_28 = arith.constant 1 : i32
      %add3A_29 = arith.addi %mul3A_12, %add3A_28 : i32
      %dma_start3A_30 = arith.constant 0 : i32
      %dma_start3A_31 = tpu.memref_slice %arg5[%add3A_29, %dma_start3A_30] : memref<64x128xi32, #tpu.memory_space<vmem>> -> memref<1x128xi32, #tpu.memory_space<vmem>>
      %dma_start3A_32 = tpu.memref_squeeze %dma_start3A_31 : memref<1x128xi32, #tpu.memory_space<vmem>> -> memref<128xi32, #tpu.memory_space<vmem>>
      %dma_start3A_33 = arith.constant 0 : i32
      %dma_start3A_34 = arith.constant 0 : i32
      %dma_start3A_35 = tpu.memref_slice %arg2[%dma_start3A_33, %dma_start3A_34] : memref<32768x128xf32, #tpu.memory_space<hbm>> -> memref<32768x128xf32, #tpu.memory_space<hbm>>
      tpu.enqueue_indirect_dma source(%dma_start3A_35 : memref<32768x128xf32, #tpu.memory_space<hbm>>) target(%arg7 : memref<128x128xf32, #tpu.memory_space<vmem>>) offsets(%dma_start3A_32 : memref<128xi32, #tpu.memory_space<vmem>>) semaphore(%arg9 : memref<!tpu.dma_semaphore, #tpu.memory_space<semaphore_mem>>)
      %dma_wait3A_36 = arith.constant 0 : i32
      %dma_wait3A_37 = tpu.memref_slice %arg5[%add3A_29, %dma_wait3A_36] : memref<64x128xi32, #tpu.memory_space<vmem>> -> memref<1x128xi32, #tpu.memory_space<vmem>>
      %dma_wait3A_38 = tpu.memref_squeeze %dma_wait3A_37 : memref<1x128xi32, #tpu.memory_space<vmem>> -> memref<128xi32, #tpu.memory_space<vmem>>
      %dma_wait3A_39 = arith.constant 0 : i32
      %dma_wait3A_40 = arith.constant 0 : i32
      %dma_wait3A_41 = tpu.memref_slice %arg2[%dma_wait3A_39, %dma_wait3A_40] : memref<32768x128xf32, #tpu.memory_space<hbm>> -> memref<32768x128xf32, #tpu.memory_space<hbm>>
      tpu.wait_indirect_dma semaphore(%arg9 : memref<!tpu.dma_semaphore, #tpu.memory_space<semaphore_mem>>) src(%dma_wait3A_41 : memref<32768x128xf32, #tpu.memory_space<hbm>>) dst(%arg7 : memref<128x128xf32, #tpu.memory_space<vmem>>)
      %mul3A_42 = arith.constant 128 : i32
      %mul3A_43 = arith.muli %add3A_29, %mul3A_42 : i32
      %add3A_44 = arith.addi %mul3A_2, %mul3A_43 : i32
      "tpu.region"() ({
        %run_scoped3A = tpu.sem_alloc : memref<!tpu.dma_semaphore, #tpu.memory_space<semaphore_mem>>
        %dma_start3A_46 = arith.constant 0 : i32
        %dma_start3A_47 = tpu.memref_slice %arg4[%add3A_44, %dma_start3A_46] : memref<262144x128xf32, #tpu.memory_space<hbm>> -> memref<128x128xf32, #tpu.memory_space<hbm>>
        %dma_start3A_48 = arith.constant 0 : i32
        %dma_start3A_49 = tpu.memref_slice %arg4[%add3A_44, %dma_start3A_48] : memref<262144x128xf32, #tpu.memory_space<hbm>> -> memref<128x128xf32, #tpu.memory_space<hbm>>
        tpu.enqueue_dma source(%arg7 : memref<128x128xf32, #tpu.memory_space<vmem>>) target(%dma_start3A_49 : memref<128x128xf32, #tpu.memory_space<hbm>>) target_semaphore(%run_scoped3A : memref<!tpu.dma_semaphore, #tpu.memory_space<semaphore_mem>>)
        %dma_wait3A_50 = arith.constant 0 : i32
        %dma_wait3A_51 = tpu.memref_slice %arg4[%add3A_44, %dma_wait3A_50] : memref<262144x128xf32, #tpu.memory_space<hbm>> -> memref<128x128xf32, #tpu.memory_space<hbm>>
        %dma_wait3A_52 = arith.constant 0 : i32
        %dma_wait3A_53 = tpu.memref_slice %arg4[%add3A_44, %dma_wait3A_52] : memref<262144x128xf32, #tpu.memory_space<hbm>> -> memref<128x128xf32, #tpu.memory_space<hbm>>
        tpu.wait_dma2 semaphore(%run_scoped3A : memref<!tpu.dma_semaphore, #tpu.memory_space<semaphore_mem>>) src(%arg7 : memref<128x128xf32, #tpu.memory_space<vmem>>) dst(%dma_wait3A_53 : memref<128x128xf32, #tpu.memory_space<hbm>>)
        tpu.yield
      }) : () -> ()
      %scan3A_45 = arith.constant 0 : i32
      scf.yield %scan3A_45 : i32
    }
    %scan3A_8 = arith.constant 32 : i32
    return
  }
}

module attributes {stable_mosaic.version = 14 : i64} {
  func.func @_ballq_body(%arg0: i32, %arg1: i32, %arg2: memref<1x256x3xf32, #tpu.memory_space<vmem>>, %arg3: memref<1x16x3x512xf32, #tpu.memory_space<vmem>>, %arg4: memref<1x256x32xi32, #tpu.memory_space<vmem>>, %arg5: memref<256x1xf32, #tpu.memory_space<vmem>>, %arg6: memref<256x32xf32, #tpu.memory_space<vmem>>) attributes {dimension_semantics = [#tpu.dimension_semantics<arbitrary>, #tpu.dimension_semantics<arbitrary>], iteration_bounds = array<i64: 4, 8>, scalar_prefetch = 0 : i64, scratch_operands = 2 : i64, tpu.core_type = #tpu.core_type<tc>, window_params = [{transform_indices = @transform_0, window_bounds = array<i64: 1, 256, 3>}, {transform_indices = @transform_1, window_bounds = array<i64: 1, 16, 3, 512>}, {transform_indices = @transform_2, window_bounds = array<i64: 1, 256, 32>}]} {
    %broadcast_in_dim3A = arith.constant 0.000000e+00 : f32
    %broadcast_in_dim3A_0 = vector.broadcast %broadcast_in_dim3A : f32 to vector<256x1xf32>
    %swap3A = arith.constant 0 : index
    %swap3A_1 = arith.constant 0 : index
    %swap3A_2 = vector.load %arg5[%swap3A, %swap3A_1] : memref<256x1xf32, #tpu.memory_space<vmem>>, vector<256x1xf32>
    tpu.vector_store %arg5[%swap3A, %swap3A_1], %broadcast_in_dim3A_0 {strides = array<i32>} : memref<256x1xf32, #tpu.memory_space<vmem>>, vector<256x1xf32>,
    %broadcast_in_dim3A_3 = arith.constant 0.000000e+00 : f32
    %broadcast_in_dim3A_4 = vector.broadcast %broadcast_in_dim3A_3 : f32 to vector<256x32xf32>
    %swap3A_5 = arith.constant 0 : index
    %swap3A_6 = arith.constant 0 : index
    %swap3A_7 = vector.load %arg6[%swap3A_5, %swap3A_6] : memref<256x32xf32, #tpu.memory_space<vmem>>, vector<256x32xf32>
    tpu.vector_store %arg6[%swap3A_5, %swap3A_6], %broadcast_in_dim3A_4 {strides = array<i32>} : memref<256x32xf32, #tpu.memory_space<vmem>>, vector<256x32xf32>,
    %get3A = arith.constant 0 : index
    %get3A_8 = arith.constant 0 : index
    %get3A_9 = arith.constant 0 : index
    %get3A_10 = vector.load %arg2[%get3A, %get3A_8, %get3A_9] : memref<1x256x3xf32, #tpu.memory_space<vmem>>, vector<1x256x3xf32>
    %get3A_11 = vector.shape_cast %get3A_10 : vector<1x256x3xf32> to vector<256x3xf32>
    %mul3A = arith.mulf %get3A_11, %get3A_11 : vector<256x3xf32>
    %reduce_sum3A = arith.constant dense<0.000000e+00> : vector<256xf32>
    %reduce_sum3A_12 = vector.multi_reduction <add>, %mul3A, %reduce_sum3A [1] : vector<256x3xf32> to vector<256xf32>
    %broadcast_in_dim3A_13 = vector.shape_cast %reduce_sum3A_12 : vector<256xf32> to vector<256x1xf32>
    %iota3A = tpu.iota {dimensions = array<i32: 0>} : vector<512x512xi32>
    %iota3A_14 = tpu.iota {dimensions = array<i32: 1>} : vector<512x512xi32>
    %le3A = arith.cmpi sle, %iota3A, %iota3A_14 : vector<512x512xi32>
    %jit3A = arith.constant 1.000000e+00 : f32
    %jit3A_15 = arith.constant 0.000000e+00 : f32
    %broadcast_in_dim3A_16 = vector.broadcast %jit3A : f32 to vector<512x512xf32>
    %broadcast_in_dim3A_17 = vector.broadcast %jit3A_15 : f32 to vector<512x512xf32>
    %select_n3A = arith.select %le3A, %broadcast_in_dim3A_16, %broadcast_in_dim3A_17 : vector<512x512xi1>, vector<512x512xf32>
    %iota3A_18 = tpu.iota {dimensions = array<i32: 1>} : vector<256x512xi32>
    %convert_element_type3A = arith.sitofp %iota3A_18 : vector<256x512xi32> to vector<256x512xf32>
    %iota3A_19 = tpu.iota {dimensions = array<i32: 1>} : vector<256x32xi32>
    %convert_element_type3A_20 = arith.sitofp %iota3A_19 : vector<256x32xi32> to vector<256x32xf32>
    %scan3A = arith.constant 0 : i32
    %scan3A_21 = arith.constant 16 : i32
    %scan3A_22 = arith.addi %scan3A, %scan3A_21 : i32
    %scan3A_23 = arith.constant 1 : i32
    scf.for %scan3A_47 = %scan3A to %scan3A_22 step %scan3A_23  : i32 {
      %get3A_48 = arith.constant 0 : index
      %get3A_49 = arith.constant 0 : index
      %get3A_50 = vector.load %arg5[%get3A_48, %get3A_49] : memref<256x1xf32, #tpu.memory_space<vmem>>, vector<256x1xf32>
      %reduce_min3A = vector.shape_cast %get3A_50 : vector<256x1xf32> to vector<1x256x1xf32>
      %reduce_min3A_51 = arith.constant dense<0x7F800000> : vector<1xf32>
      %reduce_min3A_52 = vector.multi_reduction <minimumf>, %reduce_min3A, %reduce_min3A_51 [1, 2] : vector<1x256x1xf32> to vector<1xf32>
      %reduce_min3A_53 = vector.shape_cast %reduce_min3A_52 : vector<1xf32> to vector<1x1x1xf32>
      %reduce_min3A_54 = vector.extract %reduce_min3A_53[0, 0, 0] : f32 from vector<1x1x1xf32>
      %lt3A = arith.constant 3.200000e+01 : f32
      %lt3A_55 = arith.cmpf olt, %reduce_min3A_54, %lt3A : f32
      %convert_element_type3A_56 = arith.extui %lt3A_55 : i1 to i32
      %cond3A = arith.constant 0 : i32
      %cond3A_57 = arith.cmpi ne, %convert_element_type3A_56, %cond3A : i32
      scf.if %cond3A_57 {
        %get3A_58 = arith.constant 0 : index
        %get3A_59 = arith.constant 0 : index
        %get3A_60 = vector.load %arg5[%get3A_58, %get3A_59] : memref<256x1xf32, #tpu.memory_space<vmem>>, vector<256x1xf32>
        %get3A_61 = arith.constant 0 : index
        %get3A_62 = arith.index_cast %scan3A_47 : i32 to index
        %get3A_63 = arith.constant 0 : index
        %get3A_64 = arith.constant 0 : index
        %get3A_65 = vector.load %arg3[%get3A_61, %get3A_62, %get3A_63, %get3A_64] : memref<1x16x3x512xf32, #tpu.memory_space<vmem>>, vector<1x1x3x512xf32>
        %get3A_66 = vector.shape_cast %get3A_65 : vector<1x1x3x512xf32> to vector<3x512xf32>
        %mul3A_67 = arith.mulf %get3A_66, %get3A_66 : vector<3x512xf32>
        %reduce_sum3A_68 = arith.constant dense<0.000000e+00> : vector<512xf32>
        %reduce_sum3A_69 = vector.multi_reduction <add>, %mul3A_67, %reduce_sum3A_68 [0] : vector<3x512xf32> to vector<512xf32>
        %broadcast_in_dim3A_70 = vector.shape_cast %reduce_sum3A_69 : vector<512xf32> to vector<1x512xf32>
        %dot_general3A = arith.constant dense<0.000000e+00> : vector<256x512xf32>
        %dot_general3A_71 = tpu.matmul %get3A_11, %get3A_66, %dot_general3A {dimension_numbers = #tpu.dot_dimension_numbers<[1], [0], [0], [1], [0, 0, 1, 1], [], []>, transpose_lhs_hint = false} : vector<256x3xf32>, vector<3x512xf32>, vector<256x512xf32> -> vector<256x512xf32>
        %add3A_72 = vector.broadcast %broadcast_in_dim3A_13 : vector<256x1xf32> to vector<256x512xf32>
        %add3A_73 = vector.broadcast %broadcast_in_dim3A_70 : vector<1x512xf32> to vector<256x512xf32>
        %add3A_74 = arith.addf %add3A_72, %add3A_73 : vector<256x512xf32>
        %mul3A_75 = arith.constant 2.000000e+00 : f32
        %mul3A_76 = vector.broadcast %mul3A_75 : f32 to vector<256x512xf32>
        %mul3A_77 = arith.mulf %mul3A_76, %dot_general3A_71 : vector<256x512xf32>
        %sub3A_78 = arith.subf %add3A_74, %mul3A_77 : vector<256x512xf32>
        %le3A_79 = arith.constant 1.600000e-01 : f32
        %le3A_80 = vector.broadcast %le3A_79 : f32 to vector<256x512xf32>
        %le3A_81 = arith.cmpf ole, %sub3A_78, %le3A_80 : vector<256x512xf32>
        %jit3A_82 = arith.constant 1.000000e+00 : f32
        %jit3A_83 = arith.constant 0.000000e+00 : f32
        %broadcast_in_dim3A_84 = vector.broadcast %jit3A_82 : f32 to vector<256x512xf32>
        %broadcast_in_dim3A_85 = vector.broadcast %jit3A_83 : f32 to vector<256x512xf32>
        %select_n3A_86 = arith.select %le3A_81, %broadcast_in_dim3A_84, %broadcast_in_dim3A_85 : vector<256x512xi1>, vector<256x512xf32>
        %dot_general3A_87 = arith.constant dense<0.000000e+00> : vector<256x512xf32>
        %dot_general3A_88 = tpu.matmul %select_n3A_86, %select_n3A, %dot_general3A_87 {dimension_numbers = #tpu.dot_dimension_numbers<[1], [0], [0], [1], [0, 0, 1, 1], [], []>, transpose_lhs_hint = false} : vector<256x512xf32>, vector<512x512xf32>, vector<256x512xf32> -> vector<256x512xf32>
        %add3A_89 = vector.broadcast %get3A_60 : vector<256x1xf32> to vector<256x512xf32>
        %add3A_90 = arith.addf %dot_general3A_88, %add3A_89 : vector<256x512xf32>
        %mul3A_91 = arith.constant 512 : i32
        %mul3A_92 = arith.muli %scan3A_47, %mul3A_91 : i32
        %add3A_93 = arith.constant 1 : i32
        %add3A_94 = arith.addi %mul3A_92, %add3A_93 : i32
        %convert_element_type3A_95 = arith.sitofp %add3A_94 : i32 to f32
        %add3A_96 = vector.broadcast %convert_element_type3A_95 : f32 to vector<256x512xf32>
        %add3A_97 = arith.addf %convert_element_type3A, %add3A_96 : vector<256x512xf32>
        %mul3A_98 = arith.mulf %add3A_97, %select_n3A_86 : vector<256x512xf32>
        %get3A_99 = arith.constant 0 : index
        %get3A_100 = arith.constant 0 : index
        %get3A_101 = vector.load %arg6[%get3A_99, %get3A_100] : memref<256x32xf32, #tpu.memory_space<vmem>>, vector<256x32xf32>
        %scan3A_102 = arith.constant 0 : i32
        %scan3A_103 = arith.constant 32 : i32
        %scan3A_104 = arith.addi %scan3A_102, %scan3A_103 : i32
        %scan3A_105 = arith.constant 1 : i32
        %scan3A_106 = scf.for %scan3A_118 = %scan3A_102 to %scan3A_104 step %scan3A_105 iter_args(%scan3A_119 = %get3A_101) -> (vector<256x32xf32>)  : i32 {
          %add3A_120 = arith.constant 1 : i32
          %add3A_121 = arith.addi %scan3A_118, %add3A_120 : i32
          %convert_element_type3A_122 = arith.sitofp %add3A_121 : i32 to f32
          %eq3A = vector.broadcast %convert_element_type3A_122 : f32 to vector<256x512xf32>
          %eq3A_123 = arith.cmpf oeq, %add3A_90, %eq3A : vector<256x512xf32>
          %jit3A_124 = arith.constant 0.000000e+00 : f32
          %broadcast_in_dim3A_125 = vector.broadcast %jit3A_124 : f32 to vector<256x512xf32>
          %select_n3A_126 = arith.select %eq3A_123, %mul3A_98, %broadcast_in_dim3A_125 : vector<256x512xi1>, vector<256x512xf32>
          %reduce_max3A = arith.constant dense<0xFF800000> : vector<256xf32>
          %reduce_max3A_127 = vector.multi_reduction <maximumf>, %select_n3A_126, %reduce_max3A [1] : vector<256x512xf32> to vector<256xf32>
          %broadcast_in_dim3A_128 = vector.shape_cast %reduce_max3A_127 : vector<256xf32> to vector<256x1xf32>
          %sub3A_129 = arith.constant 1.000000e+00 : f32
          %sub3A_130 = arith.subf %convert_element_type3A_122, %sub3A_129 : f32
          %eq3A_131 = vector.broadcast %sub3A_130 : f32 to vector<256x32xf32>
          %eq3A_132 = arith.cmpf oeq, %convert_element_type3A_20, %eq3A_131 : vector<256x32xf32>
          %jit3A_133 = arith.constant 0.000000e+00 : f32
          %broadcast_in_dim3A_134 = vector.shape_cast %broadcast_in_dim3A_128 : vector<256x1xf32> to vector<256x1xf32>
          %broadcast_in_dim3A_135 = vector.broadcast %broadcast_in_dim3A_134 : vector<256x1xf32> to vector<256x32xf32>
          %broadcast_in_dim3A_136 = vector.broadcast %jit3A_133 : f32 to vector<256x32xf32>
          %select_n3A_137 = arith.select %eq3A_132, %broadcast_in_dim3A_135, %broadcast_in_dim3A_136 : vector<256x32xi1>, vector<256x32xf32>
          %max3A_138 = arith.maximumf %scan3A_119, %select_n3A_137 : vector<256x32xf32>
          scf.yield %max3A_138 : vector<256x32xf32>
        }
        %scan3A_107 = arith.constant 32 : i32
        %swap3A_108 = arith.constant 0 : index
        %swap3A_109 = arith.constant 0 : index
        %swap3A_110 = vector.load %arg6[%swap3A_108, %swap3A_109] : memref<256x32xf32, #tpu.memory_space<vmem>>, vector<256x32xf32>
        tpu.vector_store %arg6[%swap3A_108, %swap3A_109], %scan3A_106 {strides = array<i32>} : memref<256x32xf32, #tpu.memory_space<vmem>>, vector<256x32xf32>,
        %reduce_sum3A_111 = arith.constant dense<0.000000e+00> : vector<256xf32>
        %reduce_sum3A_112 = vector.multi_reduction <add>, %select_n3A_86, %reduce_sum3A_111 [1] : vector<256x512xf32> to vector<256xf32>
        %broadcast_in_dim3A_113 = vector.shape_cast %reduce_sum3A_112 : vector<256xf32> to vector<256x1xf32>
        %add3A_114 = arith.addf %get3A_60, %broadcast_in_dim3A_113 : vector<256x1xf32>
        %swap3A_115 = arith.constant 0 : index
        %swap3A_116 = arith.constant 0 : index
        %swap3A_117 = vector.load %arg5[%swap3A_115, %swap3A_116] : memref<256x1xf32, #tpu.memory_space<vmem>>, vector<256x1xf32>
        tpu.vector_store %arg5[%swap3A_115, %swap3A_116], %add3A_114 {strides = array<i32>} : memref<256x1xf32, #tpu.memory_space<vmem>>, vector<256x1xf32>,
      } else {
      }
    }
    %scan3A_24 = arith.constant 16 : i32
    %get3A_25 = arith.constant 0 : index
    %get3A_26 = arith.constant 0 : index
    %get3A_27 = vector.load %arg6[%get3A_25, %get3A_26] : memref<256x32xf32, #tpu.memory_space<vmem>>, vector<256x32xf32>
    %slice3A = vector.extract_strided_slice %get3A_27 {offsets = [0, 0], sizes = [256, 1], strides = [1, 1]} : vector<256x32xf32> to vector<256x1xf32>
    %gt3A = arith.constant 0.000000e+00 : f32
    %gt3A_28 = vector.broadcast %gt3A : f32 to vector<256x32xf32>
    %gt3A_29 = arith.cmpf ogt, %get3A_27, %gt3A_28 : vector<256x32xf32>
    %max3A = arith.constant 1.000000e+00 : f32
    %max3A_30 = vector.broadcast %max3A : f32 to vector<256x1xf32>
    %max3A_31 = arith.maximumf %slice3A, %max3A_30 : vector<256x1xf32>
    %broadcast_in_dim3A_32 = vector.shape_cast %max3A_31 : vector<256x1xf32> to vector<256x1xf32>
    %broadcast_in_dim3A_33 = vector.broadcast %broadcast_in_dim3A_32 : vector<256x1xf32> to vector<256x32xf32>
    %select_n3A_34 = arith.select %gt3A_29, %get3A_27, %broadcast_in_dim3A_33 : vector<256x32xi1>, vector<256x32xf32>
    %sub3A = arith.constant 1.000000e+00 : f32
    %sub3A_35 = vector.broadcast %sub3A : f32 to vector<256x32xf32>
    %sub3A_36 = arith.subf %select_n3A_34, %sub3A_35 : vector<256x32xf32>
    %convert_element_type3A_37 = arith.fptosi %sub3A_36 : vector<256x32xf32> to vector<256x32xi32>
    %mul3A_38 = arith.constant 8192 : i32
    %mul3A_39 = arith.muli %arg0, %mul3A_38 : i32
    %add3A = vector.broadcast %mul3A_39 : i32 to vector<256x32xi32>
    %add3A_40 = arith.addi %convert_element_type3A_37, %add3A : vector<256x32xi32>
    %swap3A_41 = arith.constant 0 : index
    %swap3A_42 = arith.constant 0 : index
    %swap3A_43 = arith.constant 0 : index
    %swap3A_44 = vector.load %arg4[%swap3A_41, %swap3A_42, %swap3A_43] : memref<1x256x32xi32, #tpu.memory_space<vmem>>, vector<1x256x32xi32>
    %swap3A_45 = vector.shape_cast %swap3A_44 : vector<1x256x32xi32> to vector<256x32xi32>
    %swap3A_46 = vector.shape_cast %add3A_40 : vector<256x32xi32> to vector<1x256x32xi32>
    tpu.vector_store %arg4[%swap3A_41, %swap3A_42, %swap3A_43], %swap3A_46 {strides = array<i32>} : memref<1x256x32xi32, #tpu.memory_space<vmem>>, vector<1x256x32xi32>,
    return
  }
  func.func @transform_0(%arg0: i32, %arg1: i32) -> (i32, i32, i32) {
    %c0_i32 = arith.constant 0 : i32
    %c0_i32_0 = arith.constant 0 : i32
    return %arg0, %arg1, %c0_i32 : i32, i32, i32
  }
  func.func @transform_1(%arg0: i32, %arg1: i32) -> (i32, i32, i32, i32) {
    %c0_i32 = arith.constant 0 : i32
    %c0_i32_0 = arith.constant 0 : i32
    %c0_i32_1 = arith.constant 0 : i32
    %c0_i32_2 = arith.constant 0 : i32
    return %arg0, %c0_i32, %c0_i32_0, %c0_i32_1 : i32, i32, i32, i32
  }
  func.func @transform_2(%arg0: i32, %arg1: i32) -> (i32, i32, i32) {
    %c0_i32 = arith.constant 0 : i32
    %c0_i32_0 = arith.constant 0 : i32
    return %arg0, %arg1, %c0_i32 : i32, i32, i32
  }
}

module attributes {stable_mosaic.version = 14 : i64} {
  func.func @_l0_body(%arg0: i32, %arg1: memref<64x32x128xf32, #tpu.memory_space<vmem>>, %arg2: memref<64x1x128xf32, #tpu.memory_space<vmem>>, %arg3: memref<128x64xf32, #tpu.memory_space<vmem>>, %arg4: memref<1x64xf32, #tpu.memory_space<vmem>>, %arg5: memref<2048x64xf32, #tpu.memory_space<vmem>>, %arg6: memref<1x64xf32, #tpu.memory_space<vmem>>, %arg7: memref<1x64xf32, #tpu.memory_space<vmem>>) attributes {dimension_semantics = [#tpu.dimension_semantics<arbitrary>], iteration_bounds = array<i64: 128>, scalar_prefetch = 0 : i64, scratch_operands = 0 : i64, tpu.core_type = #tpu.core_type<tc>, window_params = [{transform_indices = @transform_0, window_bounds = array<i64: 64, 32, 128>}, {transform_indices = @transform_1, window_bounds = array<i64: 64, 1, 128>}, {pipeline_mode = #tpu.pipeline_mode<synchronous>, transform_indices = @transform_2, window_bounds = array<i64: 128, 64>}, {pipeline_mode = #tpu.pipeline_mode<synchronous>, transform_indices = @transform_3, window_bounds = array<i64: 1, 64>}, {transform_indices = @transform_4, window_bounds = array<i64: 2048, 64>}, {pipeline_mode = #tpu.pipeline_mode<synchronous>, transform_indices = @transform_5, window_bounds = array<i64: 1, 64>}, {pipeline_mode = #tpu.pipeline_mode<synchronous>, transform_indices = @transform_6, window_bounds = array<i64: 1, 64>}]} {
    %eq3A = arith.constant 0 : i32
    %eq3A_0 = arith.cmpi eq, %arg0, %eq3A : i32
    %convert_element_type3A = arith.extui %eq3A_0 : i1 to i32
    %cond3A = arith.constant 0 : i32
    %cond3A_1 = arith.cmpi ne, %convert_element_type3A, %cond3A : i32
    scf.if %cond3A_1 {
      %broadcast_in_dim3A_38 = arith.constant 0.000000e+00 : f32
      %broadcast_in_dim3A_39 = vector.broadcast %broadcast_in_dim3A_38 : f32 to vector<1x64xf32>
      %swap3A_40 = arith.constant 0 : index
      %swap3A_41 = arith.constant 0 : index
      %swap3A_42 = vector.load %arg6[%swap3A_40, %swap3A_41] : memref<1x64xf32, #tpu.memory_space<vmem>>, vector<1x64xf32>
      tpu.vector_store %arg6[%swap3A_40, %swap3A_41], %broadcast_in_dim3A_39 {strides = array<i32>} : memref<1x64xf32, #tpu.memory_space<vmem>>, vector<1x64xf32>,
      %broadcast_in_dim3A_43 = arith.constant 0.000000e+00 : f32
      %broadcast_in_dim3A_44 = vector.broadcast %broadcast_in_dim3A_43 : f32 to vector<1x64xf32>
      %swap3A_45 = arith.constant 0 : index
      %swap3A_46 = arith.constant 0 : index
      %swap3A_47 = vector.load %arg7[%swap3A_45, %swap3A_46] : memref<1x64xf32, #tpu.memory_space<vmem>>, vector<1x64xf32>
      tpu.vector_store %arg7[%swap3A_45, %swap3A_46], %broadcast_in_dim3A_44 {strides = array<i32>} : memref<1x64xf32, #tpu.memory_space<vmem>>, vector<1x64xf32>,
    } else {
    }
    %get3A = arith.constant 0 : index
    %get3A_2 = arith.constant 0 : index
    %get3A_3 = arith.constant 0 : index
    %get3A_4 = vector.load %arg1[%get3A, %get3A_2, %get3A_3] : memref<64x32x128xf32, #tpu.memory_space<vmem>>, vector<64x32x128xf32>
    %get3A_5 = arith.constant 0 : index
    %get3A_6 = arith.constant 0 : index
    %get3A_7 = arith.constant 0 : index
    %get3A_8 = vector.load %arg2[%get3A_5, %get3A_6, %get3A_7] : memref<64x1x128xf32, #tpu.memory_space<vmem>>, vector<64x1x128xf32>
    %sub3A = vector.broadcast %get3A_8 : vector<64x1x128xf32> to vector<64x32x128xf32>
    %sub3A_9 = arith.subf %get3A_4, %sub3A : vector<64x32x128xf32>
    %reshape3A = vector.shape_cast %sub3A_9 : vector<64x32x128xf32> to vector<2048x128xf32>
    %get3A_10 = arith.constant 0 : index
    %get3A_11 = arith.constant 0 : index
    %get3A_12 = vector.load %arg3[%get3A_10, %get3A_11] : memref<128x64xf32, #tpu.memory_space<vmem>>, vector<128x64xf32>
    %dot_general3A = arith.constant dense<0.000000e+00> : vector<2048x64xf32>
    %dot_general3A_13 = tpu.matmul %reshape3A, %get3A_12, %dot_general3A {dimension_numbers = #tpu.dot_dimension_numbers<[1], [0], [0], [1], [0, 0, 1, 1], [], []>, transpose_lhs_hint = false} : vector<2048x128xf32>, vector<128x64xf32>, vector<2048x64xf32> -> vector<2048x64xf32>
    %get3A_14 = arith.constant 0 : index
    %get3A_15 = arith.constant 0 : index
    %get3A_16 = vector.load %arg4[%get3A_14, %get3A_15] : memref<1x64xf32, #tpu.memory_space<vmem>>, vector<1x64xf32>
    %add3A = vector.broadcast %get3A_16 : vector<1x64xf32> to vector<2048x64xf32>
    %add3A_17 = arith.addf %dot_general3A_13, %add3A : vector<2048x64xf32>
    %swap3A = arith.constant 0 : index
    %swap3A_18 = arith.constant 0 : index
    %swap3A_19 = vector.load %arg5[%swap3A, %swap3A_18] : memref<2048x64xf32, #tpu.memory_space<vmem>>, vector<2048x64xf32>
    tpu.vector_store %arg5[%swap3A, %swap3A_18], %add3A_17 {strides = array<i32>} : memref<2048x64xf32, #tpu.memory_space<vmem>>, vector<2048x64xf32>,
    %get3A_20 = arith.constant 0 : index
    %get3A_21 = arith.constant 0 : index
    %get3A_22 = vector.load %arg6[%get3A_20, %get3A_21] : memref<1x64xf32, #tpu.memory_space<vmem>>, vector<1x64xf32>
    %reduce_sum3A = arith.constant dense<0.000000e+00> : vector<64xf32>
    %reduce_sum3A_23 = vector.multi_reduction <add>, %add3A_17, %reduce_sum3A [0] : vector<2048x64xf32> to vector<64xf32>
    %broadcast_in_dim3A = vector.shape_cast %reduce_sum3A_23 : vector<64xf32> to vector<1x64xf32>
    %add3A_24 = arith.addf %get3A_22, %broadcast_in_dim3A : vector<1x64xf32>
    %swap3A_25 = arith.constant 0 : index
    %swap3A_26 = arith.constant 0 : index
    %swap3A_27 = vector.load %arg6[%swap3A_25, %swap3A_26] : memref<1x64xf32, #tpu.memory_space<vmem>>, vector<1x64xf32>
    tpu.vector_store %arg6[%swap3A_25, %swap3A_26], %add3A_24 {strides = array<i32>} : memref<1x64xf32, #tpu.memory_space<vmem>>, vector<1x64xf32>,
    %get3A_28 = arith.constant 0 : index
    %get3A_29 = arith.constant 0 : index
    %get3A_30 = vector.load %arg7[%get3A_28, %get3A_29] : memref<1x64xf32, #tpu.memory_space<vmem>>, vector<1x64xf32>
    %mul3A = arith.mulf %add3A_17, %add3A_17 : vector<2048x64xf32>
    %reduce_sum3A_31 = arith.constant dense<0.000000e+00> : vector<64xf32>
    %reduce_sum3A_32 = vector.multi_reduction <add>, %mul3A, %reduce_sum3A_31 [0] : vector<2048x64xf32> to vector<64xf32>
    %broadcast_in_dim3A_33 = vector.shape_cast %reduce_sum3A_32 : vector<64xf32> to vector<1x64xf32>
    %add3A_34 = arith.addf %get3A_30, %broadcast_in_dim3A_33 : vector<1x64xf32>
    %swap3A_35 = arith.constant 0 : index
    %swap3A_36 = arith.constant 0 : index
    %swap3A_37 = vector.load %arg7[%swap3A_35, %swap3A_36] : memref<1x64xf32, #tpu.memory_space<vmem>>, vector<1x64xf32>
    tpu.vector_store %arg7[%swap3A_35, %swap3A_36], %add3A_34 {strides = array<i32>} : memref<1x64xf32, #tpu.memory_space<vmem>>, vector<1x64xf32>,
    return
  }
  func.func @transform_0(%arg0: i32) -> (i32, i32, i32) {
    %c0_i32 = arith.constant 0 : i32
    %c0_i32_0 = arith.constant 0 : i32
    %c0_i32_1 = arith.constant 0 : i32
    return %arg0, %c0_i32, %c0_i32_0 : i32, i32, i32
  }
  func.func @transform_1(%arg0: i32) -> (i32, i32, i32) {
    %c0_i32 = arith.constant 0 : i32
    %c0_i32_0 = arith.constant 0 : i32
    %c0_i32_1 = arith.constant 0 : i32
    return %arg0, %c0_i32, %c0_i32_0 : i32, i32, i32
  }
  func.func @transform_2(%arg0: i32) -> (i32, i32) {
    %c0_i32 = arith.constant 0 : i32
    %c0_i32_0 = arith.constant 0 : i32
    %c0_i32_1 = arith.constant 0 : i32
    return %c0_i32, %c0_i32_0 : i32, i32
  }
  func.func @transform_3(%arg0: i32) -> (i32, i32) {
    %c0_i32 = arith.constant 0 : i32
    %c0_i32_0 = arith.constant 0 : i32
    %c0_i32_1 = arith.constant 0 : i32
    return %c0_i32, %c0_i32_0 : i32, i32
  }
  func.func @transform_4(%arg0: i32) -> (i32, i32) {
    %c0_i32 = arith.constant 0 : i32
    %c0_i32_0 = arith.constant 0 : i32
    return %arg0, %c0_i32 : i32, i32
  }
  func.func @transform_5(%arg0: i32) -> (i32, i32) {
    %c0_i32 = arith.constant 0 : i32
    %c0_i32_0 = arith.constant 0 : i32
    %c0_i32_1 = arith.constant 0 : i32
    return %c0_i32, %c0_i32_0 : i32, i32
  }
  func.func @transform_6(%arg0: i32) -> (i32, i32) {
    %c0_i32 = arith.constant 0 : i32
    %c0_i32_0 = arith.constant 0 : i32
    %c0_i32_1 = arith.constant 0 : i32
    return %c0_i32, %c0_i32_0 : i32, i32
  }
}

module attributes {stable_mosaic.version = 14 : i64} {
  func.func @_l1_body(%arg0: i32, %arg1: memref<2048x64xf32, #tpu.memory_space<vmem>>, %arg2: memref<1x64xf32, #tpu.memory_space<vmem>>, %arg3: memref<1x64xf32, #tpu.memory_space<vmem>>, %arg4: memref<64x64xf32, #tpu.memory_space<vmem>>, %arg5: memref<1x64xf32, #tpu.memory_space<vmem>>, %arg6: memref<2048x64xf32, #tpu.memory_space<vmem>>, %arg7: memref<1x64xf32, #tpu.memory_space<vmem>>, %arg8: memref<1x64xf32, #tpu.memory_space<vmem>>) attributes {dimension_semantics = [#tpu.dimension_semantics<arbitrary>], iteration_bounds = array<i64: 128>, scalar_prefetch = 0 : i64, scratch_operands = 0 : i64, tpu.core_type = #tpu.core_type<tc>, window_params = [{transform_indices = @transform_0, window_bounds = array<i64: 2048, 64>}, {pipeline_mode = #tpu.pipeline_mode<synchronous>, transform_indices = @transform_1, window_bounds = array<i64: 1, 64>}, {pipeline_mode = #tpu.pipeline_mode<synchronous>, transform_indices = @transform_2, window_bounds = array<i64: 1, 64>}, {pipeline_mode = #tpu.pipeline_mode<synchronous>, transform_indices = @transform_3, window_bounds = array<i64: 64, 64>}, {pipeline_mode = #tpu.pipeline_mode<synchronous>, transform_indices = @transform_4, window_bounds = array<i64: 1, 64>}, {transform_indices = @transform_5, window_bounds = array<i64: 2048, 64>}, {pipeline_mode = #tpu.pipeline_mode<synchronous>, transform_indices = @transform_6, window_bounds = array<i64: 1, 64>}, {pipeline_mode = #tpu.pipeline_mode<synchronous>, transform_indices = @transform_7, window_bounds = array<i64: 1, 64>}]} {
    %eq3A = arith.constant 0 : i32
    %eq3A_0 = arith.cmpi eq, %arg0, %eq3A : i32
    %convert_element_type3A = arith.extui %eq3A_0 : i1 to i32
    %cond3A = arith.constant 0 : i32
    %cond3A_1 = arith.cmpi ne, %convert_element_type3A, %cond3A : i32
    scf.if %cond3A_1 {
      %broadcast_in_dim3A_44 = arith.constant 0.000000e+00 : f32
      %broadcast_in_dim3A_45 = vector.broadcast %broadcast_in_dim3A_44 : f32 to vector<1x64xf32>
      %swap3A_46 = arith.constant 0 : index
      %swap3A_47 = arith.constant 0 : index
      %swap3A_48 = vector.load %arg7[%swap3A_46, %swap3A_47] : memref<1x64xf32, #tpu.memory_space<vmem>>, vector<1x64xf32>
      tpu.vector_store %arg7[%swap3A_46, %swap3A_47], %broadcast_in_dim3A_45 {strides = array<i32>} : memref<1x64xf32, #tpu.memory_space<vmem>>, vector<1x64xf32>,
      %broadcast_in_dim3A_49 = arith.constant 0.000000e+00 : f32
      %broadcast_in_dim3A_50 = vector.broadcast %broadcast_in_dim3A_49 : f32 to vector<1x64xf32>
      %swap3A_51 = arith.constant 0 : index
      %swap3A_52 = arith.constant 0 : index
      %swap3A_53 = vector.load %arg8[%swap3A_51, %swap3A_52] : memref<1x64xf32, #tpu.memory_space<vmem>>, vector<1x64xf32>
      tpu.vector_store %arg8[%swap3A_51, %swap3A_52], %broadcast_in_dim3A_50 {strides = array<i32>} : memref<1x64xf32, #tpu.memory_space<vmem>>, vector<1x64xf32>,
    } else {
    }
    %get3A = arith.constant 0 : index
    %get3A_2 = arith.constant 0 : index
    %get3A_3 = vector.load %arg1[%get3A, %get3A_2] : memref<2048x64xf32, #tpu.memory_space<vmem>>, vector<2048x64xf32>
    %get3A_4 = arith.constant 0 : index
    %get3A_5 = arith.constant 0 : index
    %get3A_6 = vector.load %arg2[%get3A_4, %get3A_5] : memref<1x64xf32, #tpu.memory_space<vmem>>, vector<1x64xf32>
    %mul3A = vector.broadcast %get3A_6 : vector<1x64xf32> to vector<2048x64xf32>
    %mul3A_7 = arith.mulf %get3A_3, %mul3A : vector<2048x64xf32>
    %get3A_8 = arith.constant 0 : index
    %get3A_9 = arith.constant 0 : index
    %get3A_10 = vector.load %arg3[%get3A_8, %get3A_9] : memref<1x64xf32, #tpu.memory_space<vmem>>, vector<1x64xf32>
    %add3A = vector.broadcast %get3A_10 : vector<1x64xf32> to vector<2048x64xf32>
    %add3A_11 = arith.addf %mul3A_7, %add3A : vector<2048x64xf32>
    %max3A = arith.constant 0.000000e+00 : f32
    %max3A_12 = vector.broadcast %max3A : f32 to vector<2048x64xf32>
    %max3A_13 = arith.maximumf %add3A_11, %max3A_12 : vector<2048x64xf32>
    %get3A_14 = arith.constant 0 : index
    %get3A_15 = arith.constant 0 : index
    %get3A_16 = vector.load %arg4[%get3A_14, %get3A_15] : memref<64x64xf32, #tpu.memory_space<vmem>>, vector<64x64xf32>
    %dot_general3A = arith.constant dense<0.000000e+00> : vector<2048x64xf32>
    %dot_general3A_17 = tpu.matmul %max3A_13, %get3A_16, %dot_general3A {dimension_numbers = #tpu.dot_dimension_numbers<[1], [0], [0], [1], [0, 0, 1, 1], [], []>, transpose_lhs_hint = false} : vector<2048x64xf32>, vector<64x64xf32>, vector<2048x64xf32> -> vector<2048x64xf32>
    %get3A_18 = arith.constant 0 : index
    %get3A_19 = arith.constant 0 : index
    %get3A_20 = vector.load %arg5[%get3A_18, %get3A_19] : memref<1x64xf32, #tpu.memory_space<vmem>>, vector<1x64xf32>
    %add3A_21 = vector.broadcast %get3A_20 : vector<1x64xf32> to vector<2048x64xf32>
    %add3A_22 = arith.addf %dot_general3A_17, %add3A_21 : vector<2048x64xf32>
    %swap3A = arith.constant 0 : index
    %swap3A_23 = arith.constant 0 : index
    %swap3A_24 = vector.load %arg6[%swap3A, %swap3A_23] : memref<2048x64xf32, #tpu.memory_space<vmem>>, vector<2048x64xf32>
    tpu.vector_store %arg6[%swap3A, %swap3A_23], %add3A_22 {strides = array<i32>} : memref<2048x64xf32, #tpu.memory_space<vmem>>, vector<2048x64xf32>,
    %get3A_25 = arith.constant 0 : index
    %get3A_26 = arith.constant 0 : index
    %get3A_27 = vector.load %arg7[%get3A_25, %get3A_26] : memref<1x64xf32, #tpu.memory_space<vmem>>, vector<1x64xf32>
    %reduce_sum3A = arith.constant dense<0.000000e+00> : vector<64xf32>
    %reduce_sum3A_28 = vector.multi_reduction <add>, %add3A_22, %reduce_sum3A [0] : vector<2048x64xf32> to vector<64xf32>
    %broadcast_in_dim3A = vector.shape_cast %reduce_sum3A_28 : vector<64xf32> to vector<1x64xf32>
    %add3A_29 = arith.addf %get3A_27, %broadcast_in_dim3A : vector<1x64xf32>
    %swap3A_30 = arith.constant 0 : index
    %swap3A_31 = arith.constant 0 : index
    %swap3A_32 = vector.load %arg7[%swap3A_30, %swap3A_31] : memref<1x64xf32, #tpu.memory_space<vmem>>, vector<1x64xf32>
    tpu.vector_store %arg7[%swap3A_30, %swap3A_31], %add3A_29 {strides = array<i32>} : memref<1x64xf32, #tpu.memory_space<vmem>>, vector<1x64xf32>,
    %get3A_33 = arith.constant 0 : index
    %get3A_34 = arith.constant 0 : index
    %get3A_35 = vector.load %arg8[%get3A_33, %get3A_34] : memref<1x64xf32, #tpu.memory_space<vmem>>, vector<1x64xf32>
    %mul3A_36 = arith.mulf %add3A_22, %add3A_22 : vector<2048x64xf32>
    %reduce_sum3A_37 = arith.constant dense<0.000000e+00> : vector<64xf32>
    %reduce_sum3A_38 = vector.multi_reduction <add>, %mul3A_36, %reduce_sum3A_37 [0] : vector<2048x64xf32> to vector<64xf32>
    %broadcast_in_dim3A_39 = vector.shape_cast %reduce_sum3A_38 : vector<64xf32> to vector<1x64xf32>
    %add3A_40 = arith.addf %get3A_35, %broadcast_in_dim3A_39 : vector<1x64xf32>
    %swap3A_41 = arith.constant 0 : index
    %swap3A_42 = arith.constant 0 : index
    %swap3A_43 = vector.load %arg8[%swap3A_41, %swap3A_42] : memref<1x64xf32, #tpu.memory_space<vmem>>, vector<1x64xf32>
    tpu.vector_store %arg8[%swap3A_41, %swap3A_42], %add3A_40 {strides = array<i32>} : memref<1x64xf32, #tpu.memory_space<vmem>>, vector<1x64xf32>,
    return
  }
  func.func @transform_0(%arg0: i32) -> (i32, i32) {
    %c0_i32 = arith.constant 0 : i32
    %c0_i32_0 = arith.constant 0 : i32
    return %arg0, %c0_i32 : i32, i32
  }
  func.func @transform_1(%arg0: i32) -> (i32, i32) {
    %c0_i32 = arith.constant 0 : i32
    %c0_i32_0 = arith.constant 0 : i32
    %c0_i32_1 = arith.constant 0 : i32
    return %c0_i32, %c0_i32_0 : i32, i32
  }
  func.func @transform_2(%arg0: i32) -> (i32, i32) {
    %c0_i32 = arith.constant 0 : i32
    %c0_i32_0 = arith.constant 0 : i32
    %c0_i32_1 = arith.constant 0 : i32
    return %c0_i32, %c0_i32_0 : i32, i32
  }
  func.func @transform_3(%arg0: i32) -> (i32, i32) {
    %c0_i32 = arith.constant 0 : i32
    %c0_i32_0 = arith.constant 0 : i32
    %c0_i32_1 = arith.constant 0 : i32
    return %c0_i32, %c0_i32_0 : i32, i32
  }
  func.func @transform_4(%arg0: i32) -> (i32, i32) {
    %c0_i32 = arith.constant 0 : i32
    %c0_i32_0 = arith.constant 0 : i32
    %c0_i32_1 = arith.constant 0 : i32
    return %c0_i32, %c0_i32_0 : i32, i32
  }
  func.func @transform_5(%arg0: i32) -> (i32, i32) {
    %c0_i32 = arith.constant 0 : i32
    %c0_i32_0 = arith.constant 0 : i32
    return %arg0, %c0_i32 : i32, i32
  }
  func.func @transform_6(%arg0: i32) -> (i32, i32) {
    %c0_i32 = arith.constant 0 : i32
    %c0_i32_0 = arith.constant 0 : i32
    %c0_i32_1 = arith.constant 0 : i32
    return %c0_i32, %c0_i32_0 : i32, i32
  }
  func.func @transform_7(%arg0: i32) -> (i32, i32) {
    %c0_i32 = arith.constant 0 : i32
    %c0_i32_0 = arith.constant 0 : i32
    %c0_i32_1 = arith.constant 0 : i32
    return %c0_i32, %c0_i32_0 : i32, i32
  }
}

module attributes {stable_mosaic.version = 14 : i64} {
  func.func @_l2_body(%arg0: i32, %arg1: memref<2048x64xf32, #tpu.memory_space<vmem>>, %arg2: memref<1x64xf32, #tpu.memory_space<vmem>>, %arg3: memref<1x64xf32, #tpu.memory_space<vmem>>, %arg4: memref<64x128xf32, #tpu.memory_space<vmem>>, %arg5: memref<1x128xf32, #tpu.memory_space<vmem>>, %arg6: memref<64x128xf32, #tpu.memory_space<vmem>>, %arg7: memref<64x128xf32, #tpu.memory_space<vmem>>, %arg8: memref<1x128xf32, #tpu.memory_space<vmem>>, %arg9: memref<1x128xf32, #tpu.memory_space<vmem>>) attributes {dimension_semantics = [#tpu.dimension_semantics<arbitrary>], iteration_bounds = array<i64: 128>, scalar_prefetch = 0 : i64, scratch_operands = 0 : i64, tpu.core_type = #tpu.core_type<tc>, window_params = [{transform_indices = @transform_0, window_bounds = array<i64: 2048, 64>}, {pipeline_mode = #tpu.pipeline_mode<synchronous>, transform_indices = @transform_1, window_bounds = array<i64: 1, 64>}, {pipeline_mode = #tpu.pipeline_mode<synchronous>, transform_indices = @transform_2, window_bounds = array<i64: 1, 64>}, {pipeline_mode = #tpu.pipeline_mode<synchronous>, transform_indices = @transform_3, window_bounds = array<i64: 64, 128>}, {pipeline_mode = #tpu.pipeline_mode<synchronous>, transform_indices = @transform_4, window_bounds = array<i64: 1, 128>}, {transform_indices = @transform_5, window_bounds = array<i64: 64, 128>}, {transform_indices = @transform_6, window_bounds = array<i64: 64, 128>}, {pipeline_mode = #tpu.pipeline_mode<synchronous>, transform_indices = @transform_7, window_bounds = array<i64: 1, 128>}, {pipeline_mode = #tpu.pipeline_mode<synchronous>, transform_indices = @transform_8, window_bounds = array<i64: 1, 128>}]} {
    %eq3A = arith.constant 0 : i32
    %eq3A_0 = arith.cmpi eq, %arg0, %eq3A : i32
    %convert_element_type3A = arith.extui %eq3A_0 : i1 to i32
    %cond3A = arith.constant 0 : i32
    %cond3A_1 = arith.cmpi ne, %convert_element_type3A, %cond3A : i32
    scf.if %cond3A_1 {
      %broadcast_in_dim3A_49 = arith.constant 0.000000e+00 : f32
      %broadcast_in_dim3A_50 = vector.broadcast %broadcast_in_dim3A_49 : f32 to vector<1x128xf32>
      %swap3A_51 = arith.constant 0 : index
      %swap3A_52 = arith.constant 0 : index
      %swap3A_53 = vector.load %arg8[%swap3A_51, %swap3A_52] : memref<1x128xf32, #tpu.memory_space<vmem>>, vector<1x128xf32>
      tpu.vector_store %arg8[%swap3A_51, %swap3A_52], %broadcast_in_dim3A_50 {strides = array<i32>} : memref<1x128xf32, #tpu.memory_space<vmem>>, vector<1x128xf32>,
      %broadcast_in_dim3A_54 = arith.constant 0.000000e+00 : f32
      %broadcast_in_dim3A_55 = vector.broadcast %broadcast_in_dim3A_54 : f32 to vector<1x128xf32>
      %swap3A_56 = arith.constant 0 : index
      %swap3A_57 = arith.constant 0 : index
      %swap3A_58 = vector.load %arg9[%swap3A_56, %swap3A_57] : memref<1x128xf32, #tpu.memory_space<vmem>>, vector<1x128xf32>
      tpu.vector_store %arg9[%swap3A_56, %swap3A_57], %broadcast_in_dim3A_55 {strides = array<i32>} : memref<1x128xf32, #tpu.memory_space<vmem>>, vector<1x128xf32>,
    } else {
    }
    %get3A = arith.constant 0 : index
    %get3A_2 = arith.constant 0 : index
    %get3A_3 = vector.load %arg1[%get3A, %get3A_2] : memref<2048x64xf32, #tpu.memory_space<vmem>>, vector<2048x64xf32>
    %get3A_4 = arith.constant 0 : index
    %get3A_5 = arith.constant 0 : index
    %get3A_6 = vector.load %arg2[%get3A_4, %get3A_5] : memref<1x64xf32, #tpu.memory_space<vmem>>, vector<1x64xf32>
    %mul3A = vector.broadcast %get3A_6 : vector<1x64xf32> to vector<2048x64xf32>
    %mul3A_7 = arith.mulf %get3A_3, %mul3A : vector<2048x64xf32>
    %get3A_8 = arith.constant 0 : index
    %get3A_9 = arith.constant 0 : index
    %get3A_10 = vector.load %arg3[%get3A_8, %get3A_9] : memref<1x64xf32, #tpu.memory_space<vmem>>, vector<1x64xf32>
    %add3A = vector.broadcast %get3A_10 : vector<1x64xf32> to vector<2048x64xf32>
    %add3A_11 = arith.addf %mul3A_7, %add3A : vector<2048x64xf32>
    %max3A = arith.constant 0.000000e+00 : f32
    %max3A_12 = vector.broadcast %max3A : f32 to vector<2048x64xf32>
    %max3A_13 = arith.maximumf %add3A_11, %max3A_12 : vector<2048x64xf32>
    %get3A_14 = arith.constant 0 : index
    %get3A_15 = arith.constant 0 : index
    %get3A_16 = vector.load %arg4[%get3A_14, %get3A_15] : memref<64x128xf32, #tpu.memory_space<vmem>>, vector<64x128xf32>
    %dot_general3A = arith.constant dense<0.000000e+00> : vector<2048x128xf32>
    %dot_general3A_17 = tpu.matmul %max3A_13, %get3A_16, %dot_general3A {dimension_numbers = #tpu.dot_dimension_numbers<[1], [0], [0], [1], [0, 0, 1, 1], [], []>, transpose_lhs_hint = false} : vector<2048x64xf32>, vector<64x128xf32>, vector<2048x128xf32> -> vector<2048x128xf32>
    %get3A_18 = arith.constant 0 : index
    %get3A_19 = arith.constant 0 : index
    %get3A_20 = vector.load %arg5[%get3A_18, %get3A_19] : memref<1x128xf32, #tpu.memory_space<vmem>>, vector<1x128xf32>
    %add3A_21 = vector.broadcast %get3A_20 : vector<1x128xf32> to vector<2048x128xf32>
    %add3A_22 = arith.addf %dot_general3A_17, %add3A_21 : vector<2048x128xf32>
    %get3A_23 = arith.constant 0 : index
    %get3A_24 = arith.constant 0 : index
    %get3A_25 = vector.load %arg8[%get3A_23, %get3A_24] : memref<1x128xf32, #tpu.memory_space<vmem>>, vector<1x128xf32>
    %reduce_sum3A = arith.constant dense<0.000000e+00> : vector<128xf32>
    %reduce_sum3A_26 = vector.multi_reduction <add>, %add3A_22, %reduce_sum3A [0] : vector<2048x128xf32> to vector<128xf32>
    %broadcast_in_dim3A = vector.shape_cast %reduce_sum3A_26 : vector<128xf32> to vector<1x128xf32>
    %add3A_27 = arith.addf %get3A_25, %broadcast_in_dim3A : vector<1x128xf32>
    %swap3A = arith.constant 0 : index
    %swap3A_28 = arith.constant 0 : index
    %swap3A_29 = vector.load %arg8[%swap3A, %swap3A_28] : memref<1x128xf32, #tpu.memory_space<vmem>>, vector<1x128xf32>
    tpu.vector_store %arg8[%swap3A, %swap3A_28], %add3A_27 {strides = array<i32>} : memref<1x128xf32, #tpu.memory_space<vmem>>, vector<1x128xf32>,
    %get3A_30 = arith.constant 0 : index
    %get3A_31 = arith.constant 0 : index
    %get3A_32 = vector.load %arg9[%get3A_30, %get3A_31] : memref<1x128xf32, #tpu.memory_space<vmem>>, vector<1x128xf32>
    %mul3A_33 = arith.mulf %add3A_22, %add3A_22 : vector<2048x128xf32>
    %reduce_sum3A_34 = arith.constant dense<0.000000e+00> : vector<128xf32>
    %reduce_sum3A_35 = vector.multi_reduction <add>, %mul3A_33, %reduce_sum3A_34 [0] : vector<2048x128xf32> to vector<128xf32>
    %broadcast_in_dim3A_36 = vector.shape_cast %reduce_sum3A_35 : vector<128xf32> to vector<1x128xf32>
    %add3A_37 = arith.addf %get3A_32, %broadcast_in_dim3A_36 : vector<1x128xf32>
    %swap3A_38 = arith.constant 0 : index
    %swap3A_39 = arith.constant 0 : index
    %swap3A_40 = vector.load %arg9[%swap3A_38, %swap3A_39] : memref<1x128xf32, #tpu.memory_space<vmem>>, vector<1x128xf32>
    tpu.vector_store %arg9[%swap3A_38, %swap3A_39], %add3A_37 {strides = array<i32>} : memref<1x128xf32, #tpu.memory_space<vmem>>, vector<1x128xf32>,
    %reshape3A = vector.shape_cast %add3A_22 : vector<2048x128xf32> to vector<64x32x128xf32>
    %reduce_max3A = arith.constant dense<0xFF800000> : vector<64x128xf32>
    %reduce_max3A_41 = vector.multi_reduction <maximumf>, %reshape3A, %reduce_max3A [1] : vector<64x32x128xf32> to vector<64x128xf32>
    %swap3A_42 = arith.constant 0 : index
    %swap3A_43 = arith.constant 0 : index
    %swap3A_44 = vector.load %arg6[%swap3A_42, %swap3A_43] : memref<64x128xf32, #tpu.memory_space<vmem>>, vector<64x128xf32>
    tpu.vector_store %arg6[%swap3A_42, %swap3A_43], %reduce_max3A_41 {strides = array<i32>} : memref<64x128xf32, #tpu.memory_space<vmem>>, vector<64x128xf32>,
    %reduce_min3A = arith.constant dense<0x7F800000> : vector<64x128xf32>
    %reduce_min3A_45 = vector.multi_reduction <minimumf>, %reshape3A, %reduce_min3A [1] : vector<64x32x128xf32> to vector<64x128xf32>
    %swap3A_46 = arith.constant 0 : index
    %swap3A_47 = arith.constant 0 : index
    %swap3A_48 = vector.load %arg7[%swap3A_46, %swap3A_47] : memref<64x128xf32, #tpu.memory_space<vmem>>, vector<64x128xf32>
    tpu.vector_store %arg7[%swap3A_46, %swap3A_47], %reduce_min3A_45 {strides = array<i32>} : memref<64x128xf32, #tpu.memory_space<vmem>>, vector<64x128xf32>,
    return
  }
  func.func @transform_0(%arg0: i32) -> (i32, i32) {
    %c0_i32 = arith.constant 0 : i32
    %c0_i32_0 = arith.constant 0 : i32
    return %arg0, %c0_i32 : i32, i32
  }
  func.func @transform_1(%arg0: i32) -> (i32, i32) {
    %c0_i32 = arith.constant 0 : i32
    %c0_i32_0 = arith.constant 0 : i32
    %c0_i32_1 = arith.constant 0 : i32
    return %c0_i32, %c0_i32_0 : i32, i32
  }
  func.func @transform_2(%arg0: i32) -> (i32, i32) {
    %c0_i32 = arith.constant 0 : i32
    %c0_i32_0 = arith.constant 0 : i32
    %c0_i32_1 = arith.constant 0 : i32
    return %c0_i32, %c0_i32_0 : i32, i32
  }
  func.func @transform_3(%arg0: i32) -> (i32, i32) {
    %c0_i32 = arith.constant 0 : i32
    %c0_i32_0 = arith.constant 0 : i32
    %c0_i32_1 = arith.constant 0 : i32
    return %c0_i32, %c0_i32_0 : i32, i32
  }
  func.func @transform_4(%arg0: i32) -> (i32, i32) {
    %c0_i32 = arith.constant 0 : i32
    %c0_i32_0 = arith.constant 0 : i32
    %c0_i32_1 = arith.constant 0 : i32
    return %c0_i32, %c0_i32_0 : i32, i32
  }
  func.func @transform_5(%arg0: i32) -> (i32, i32) {
    %c0_i32 = arith.constant 0 : i32
    %c0_i32_0 = arith.constant 0 : i32
    return %arg0, %c0_i32 : i32, i32
  }
  func.func @transform_6(%arg0: i32) -> (i32, i32) {
    %c0_i32 = arith.constant 0 : i32
    %c0_i32_0 = arith.constant 0 : i32
    return %arg0, %c0_i32 : i32, i32
  }
  func.func @transform_7(%arg0: i32) -> (i32, i32) {
    %c0_i32 = arith.constant 0 : i32
    %c0_i32_0 = arith.constant 0 : i32
    %c0_i32_1 = arith.constant 0 : i32
    return %c0_i32, %c0_i32_0 : i32, i32
  }
  func.func @transform_8(%arg0: i32) -> (i32, i32) {
    %c0_i32 = arith.constant 0 : i32
    %c0_i32_0 = arith.constant 0 : i32
    %c0_i32_1 = arith.constant 0 : i32
    return %c0_i32, %c0_i32_0 : i32, i32
  }
}

module attributes {stable_mosaic.version = 14 : i64} {
  func.func @_fin_body(%arg0: i32, %arg1: memref<512x128xf32, #tpu.memory_space<vmem>>, %arg2: memref<512x128xf32, #tpu.memory_space<vmem>>, %arg3: memref<1x128xf32, #tpu.memory_space<vmem>>, %arg4: memref<1x128xf32, #tpu.memory_space<vmem>>, %arg5: memref<512x128xf32, #tpu.memory_space<vmem>>) attributes {dimension_semantics = [#tpu.dimension_semantics<arbitrary>], iteration_bounds = array<i64: 16>, scalar_prefetch = 0 : i64, scratch_operands = 0 : i64, tpu.core_type = #tpu.core_type<tc>, window_params = [{transform_indices = @transform_0, window_bounds = array<i64: 512, 128>}, {transform_indices = @transform_1, window_bounds = array<i64: 512, 128>}, {pipeline_mode = #tpu.pipeline_mode<synchronous>, transform_indices = @transform_2, window_bounds = array<i64: 1, 128>}, {pipeline_mode = #tpu.pipeline_mode<synchronous>, transform_indices = @transform_3, window_bounds = array<i64: 1, 128>}, {transform_indices = @transform_4, window_bounds = array<i64: 512, 128>}]} {
    %get3A = arith.constant 0 : index
    %get3A_0 = arith.constant 0 : index
    %get3A_1 = vector.load %arg3[%get3A, %get3A_0] : memref<1x128xf32, #tpu.memory_space<vmem>>, vector<1x128xf32>
    %ge3A = arith.constant 0.000000e+00 : f32
    %ge3A_2 = vector.broadcast %ge3A : f32 to vector<1x128xf32>
    %ge3A_3 = arith.cmpf oge, %get3A_1, %ge3A_2 : vector<1x128xf32>
    %get3A_4 = arith.constant 0 : index
    %get3A_5 = arith.constant 0 : index
    %get3A_6 = vector.load %arg1[%get3A_4, %get3A_5] : memref<512x128xf32, #tpu.memory_space<vmem>>, vector<512x128xf32>
    %get3A_7 = arith.constant 0 : index
    %get3A_8 = arith.constant 0 : index
    %get3A_9 = vector.load %arg2[%get3A_7, %get3A_8] : memref<512x128xf32, #tpu.memory_space<vmem>>, vector<512x128xf32>
    %broadcast_in_dim3A = vector.shape_cast %ge3A_3 : vector<1x128xi1> to vector<1x128xi1>
    %broadcast_in_dim3A_10 = vector.broadcast %broadcast_in_dim3A : vector<1x128xi1> to vector<512x128xi1>
    %select_n3A = arith.select %broadcast_in_dim3A_10, %get3A_6, %get3A_9 : vector<512x128xi1>, vector<512x128xf32>
    %mul3A = vector.broadcast %get3A_1 : vector<1x128xf32> to vector<512x128xf32>
    %mul3A_11 = arith.mulf %select_n3A, %mul3A : vector<512x128xf32>
    %get3A_12 = arith.constant 0 : index
    %get3A_13 = arith.constant 0 : index
    %get3A_14 = vector.load %arg4[%get3A_12, %get3A_13] : memref<1x128xf32, #tpu.memory_space<vmem>>, vector<1x128xf32>
    %add3A = vector.broadcast %get3A_14 : vector<1x128xf32> to vector<512x128xf32>
    %add3A_15 = arith.addf %mul3A_11, %add3A : vector<512x128xf32>
    %max3A = arith.constant 0.000000e+00 : f32
    %max3A_16 = vector.broadcast %max3A : f32 to vector<512x128xf32>
    %max3A_17 = arith.maximumf %add3A_15, %max3A_16 : vector<512x128xf32>
    %swap3A = arith.constant 0 : index
    %swap3A_18 = arith.constant 0 : index
    %swap3A_19 = vector.load %arg5[%swap3A, %swap3A_18] : memref<512x128xf32, #tpu.memory_space<vmem>>, vector<512x128xf32>
    tpu.vector_store %arg5[%swap3A, %swap3A_18], %max3A_17 {strides = array<i32>} : memref<512x128xf32, #tpu.memory_space<vmem>>, vector<512x128xf32>,
    return
  }
  func.func @transform_0(%arg0: i32) -> (i32, i32) {
    %c0_i32 = arith.constant 0 : i32
    %c0_i32_0 = arith.constant 0 : i32
    return %arg0, %c0_i32 : i32, i32
  }
  func.func @transform_1(%arg0: i32) -> (i32, i32) {
    %c0_i32 = arith.constant 0 : i32
    %c0_i32_0 = arith.constant 0 : i32
    return %arg0, %c0_i32 : i32, i32
  }
  func.func @transform_2(%arg0: i32) -> (i32, i32) {
    %c0_i32 = arith.constant 0 : i32
    %c0_i32_0 = arith.constant 0 : i32
    %c0_i32_1 = arith.constant 0 : i32
    return %c0_i32, %c0_i32_0 : i32, i32
  }
  func.func @transform_3(%arg0: i32) -> (i32, i32) {
    %c0_i32 = arith.constant 0 : i32
    %c0_i32_0 = arith.constant 0 : i32
    %c0_i32_1 = arith.constant 0 : i32
    return %c0_i32, %c0_i32_0 : i32, i32
  }
  func.func @transform_4(%arg0: i32) -> (i32, i32) {
    %c0_i32 = arith.constant 0 : i32
    %c0_i32_0 = arith.constant 0 : i32
    return %arg0, %c0_i32 : i32, i32
  }
}

</mosaic_0001>

<sc_bundles>
// kernel: kernel.8.cloned.1.call-start
scs
__scs_entry_jumppad:
0x0: {  	(pc) =	sbr.rel $0x88, $3  }
0x1: {  	(tag) =	ssettag $0x0;
	lr =	simm.s32 $0x1  }
0x2: {  	[smem:$0x3F92] =	sst lr;
	_ =	strace $0xD0000000  }
0x3: {  	_ = 	snop  }
0x4: {  	_ = 	snop  }
0x5: {  	_ = 	snop  }
0x6: {  	_ = 	snop  }
0x7: {  	_ = 	snop  }
__scs_overlays_trampoline_lowered:
0x8: {  	[smem:$0x3FA1] =	sst s0  }
0x9: {  	[smem:$0x3FA2] =	sst s1  }
0xa: {  	[smem:$0x3FA3] =	sst s2  }
0xb: {  	[smem:$0x3FA4] =	sst s3  }
0xc: {  	[smem:$0x3FA5] =	sst s4  }
0xd: {  	[smem:$0x3FA6] =	sst s5  }
0xe: {  	[smem:$0x3FA7] =	sst s6  }
0xf: {  	[smem:$0x3FA8] =	sst s7  }
0x10: {  	[smem:$0x3FA9] =	sst s8  }
0x11: {  	[smem:$0x3FAA] =	sst s9;
	s0 =	simm.s32 @!p0 $0x0  }
0x12: {  	s1 =	sld [smem:$0x3F90];
	s0 =	simm.s32 @p0 $0x1  }
0x13: {  	[smem:$0x3FAB] =	sst s0;
	s0 =	simm.s32 @!p1 $0x0  }
0x14: {  	s2 =	sld [smem:$0x3F8F];
	s0 =	simm.s32 @p1 $0x1  }
0x15: {  	[smem:$0x3FAC] =	sst s0;
	s0 =	simm.s32 @!p2 $0x0  }
0x16: {  	s3 =	sld [smem:$0x3FDB];
	s0 =	simm.s32 @p2 $0x1  }
0x17: {  	s4 =	simm.s32 $0x1BF5;
	[smem:$0x3FAE] =	sst s0  }
0x18: {  	s0 =	sld [smem:$0x3F91];
	_ =	swait.ge [sflag:s4], $0x0  }
0x19: {  	s7 =	sld [smem:$0x3F92]  }
0x1a: {  	s8 =	sadd.s32 $0xFFFFE003, lr  }
0x1b: {  	s9 =	sadd.s32 $0xFFFFFEF7, lr;
	s5 =	simm.s32 $0xFFFFFFFF;
	p2 =	slt.u32 s8, $0xFFFFF086  }
0x1c: {  	p1 =	slt.u32 s9, $0xF7A;
	s5 =	simm.s32 @!p2 $0x0  }
0x1d: {  	s5 =	simm.s32 @p1 $0x1;
	p0 =	seq.s32 s7, s2  }
0x1e: {  	s7 =	smul.u32 @!p0 $0xF7A, s2;
	p2 =	seq.s32 @!p0 s5, $0x0  }
0x1f: {  	s9 =	smul.u32 $0xF7A, s1;
	s8 =	simm.s32 @!p0 $0x1BF5;
	p2 =	por !p2, p0  }
0x20: {  	[sflag:s8] =	ssyncset.s32 @!p0 $0xFFFFF086;
	s6 =	sadd.s32 @!p0 s3, s7;
	s7 =	simm.s32 @!p0 $0x108  }
0x21: {  	s3 =	sadd.s32 s3, s9;
	s6 =	sadd.s32 @!p0 $0x88, s6;
	s7 =	simm.s32 @p2 $0x1082  }
0x22: {  	[simem:s7], [sflag:s8] =	dma.local @!p0 [hbm:s6], $0xF7A  }
0x23: {  	s9 =	sor.u32 $0xD0000000, s2;
	s6 =	simm.s32 $0x108;
	_ =	swait.ge @!p0 [sflag:s8], $0x0  }
0x24: {  	s3 =	sadd.s32 $0x88, s3;
	s6 =	simm.s32 @!p1 $0x1082;
	[sflag:s4] =	ssyncset.s32 $0xFFFFF086  }
0x25: {  	[simem:s6], [sflag:s4] =	dma.local [hbm:s3], $0xF7A  }
0x26: {  	[smem:$0x3F92] =	sst s1;
	(tag) =	ssettag s2;
	_ =	strace s9  }
0x27: {  	s1 =	sld [smem:$0x3FA2]  }
0x28: {  	s2 =	sld [smem:$0x3FA3]  }
0x29: {  	s4 =	sld [smem:$0x3FA5]  }
0x2a: {  	p0 =	seq.s32 s5, $0x0;
	s5 =	sld [smem:$0x3FA6]  }
0x2b: {  	s6 =	sld [smem:$0x3FA7]  }
0x2c: {  	s7 =	sld [smem:$0x3FA8]  }
0x2d: {  	s3 =	simm.s32 $0x108;
	s8 =	sld [smem:$0x3FA9]  }
0x2e: {  	s3 =	simm.s32 @!p0 $0x1082;
	s9 =	sld [smem:$0x3FAA]  }
0x2f: {  	lr =	sadd.s32 s0, s3;
	s0 =	sld [smem:$0x3FA1]  }
0x30: {  	s3 =	sld [smem:$0x3FA4]  }
0x31: {  	[smem:$0x3FAD] =	sst s10  }
0x32: {  	s10 =	sld [smem:$0x3FAB];
	_ =	sdelay $0x3  }
0x33: {  	p0 =	seq.s32 s10, $0x1;
	s10 =	sld [smem:$0x3FAD];
	_ =	sdelay $0x3  }
0x34: {  	[smem:$0x3FAD] =	sst s10  }
0x35: {  	s10 =	sld [smem:$0x3FAC];
	_ =	sdelay $0x3  }
0x36: {  	p1 =	seq.s32 s10, $0x1;
	s10 =	sld [smem:$0x3FAD];
	_ =	sdelay $0x3  }
0x37: {  	[smem:$0x3FAD] =	sst s10  }
0x38: {  	s10 =	sld [smem:$0x3FAE]  }
0x39: {  	_ = 	snop;
	(pc) =	sbr.ind lr, $3  }
0x3a: {  	_ = 	snop  }
0x3b: {  	_ = 	snop  }
0x3c: {  	p2 =	seq.s32 s10, $0x1;
	s10 =	sld [smem:$0x3FAD]  }
0x3d: {  	_ =	shalt  }
0x3e: {  	_ =	shalt  }
0x3f: {  	_ =	shalt  }
0x40: {  	_ =	shalt  }
0x41: {  	_ =	shalt  }
0x42: {  	_ =	shalt  }
0x43: {  	_ =	shalt  }
0x44: {  	_ =	shalt  }
0x45: {  	_ =	shalt  }
0x46: {  	_ =	shalt  }
0x47: {  	_ =	shalt  }
0x48: {  	_ =	shalt  }
0x49: {  	_ =	shalt  }
0x4a: {  	_ =	shalt  }
0x4b: {  	_ =	shalt  }
0x4c: {  	_ =	shalt  }
0x4d: {  	_ =	shalt  }
0x4e: {  	_ =	shalt  }
0x4f: {  	_ =	shalt  }
0x50: {  	_ =	shalt  }
0x51: {  	_ =	shalt  }
0x52: {  	_ =	shalt  }
0x53: {  	_ =	shalt  }
0x54: {  	_ =	shalt  }
0x55: {  	_ =	shalt  }
0x56: {  	_ =	shalt  }
0x57: {  	_ =	shalt  }
0x58: {  	_ =	shalt  }
0x59: {  	_ =	shalt  }
0x5a: {  	_ =	shalt  }
0x5b: {  	_ =	shalt  }
0x5c: {  	_ =	shalt  }
0x5d: {  	_ =	shalt  }
0x5e: {  	_ =	shalt  }
0x5f: {  	_ =	shalt  }
0x60: {  	_ =	shalt  }
0x61: {  	_ =	shalt  }
0x62: {  	_ =	shalt  }
0x63: {  	_ =	shalt  }
0x64: {  	_ =	shalt  }
0x65: {  	_ =	shalt  }
0x66: {  	_ =	shalt  }
0x67: {  	_ =	shalt  }
0x68: {  	_ =	shalt  }
0x69: {  	_ =	shalt  }
0x6a: {  	_ =	shalt  }
0x6b: {  	_ =	shalt  }
0x6c: {  	_ =	shalt  }
0x6d: {  	_ =	shalt  }
0x6e: {  	_ =	shalt  }
0x6f: {  	_ =	shalt  }
0x70: {  	_ =	shalt  }
0x71: {  	_ =	shalt  }
0x72: {  	_ =	shalt  }
0x73: {  	_ =	shalt  }
0x74: {  	_ =	shalt  }
0x75: {  	_ =	shalt  }
0x76: {  	_ =	shalt  }
0x77: {  	_ =	shalt  }
0x78: {  	_ =	shalt  }
0x79: {  	_ =	shalt  }
0x7a: {  	_ =	shalt  }
0x7b: {  	_ =	shalt  }
0x7c: {  	_ =	shalt  }
0x7d: {  	_ =	shalt  }
0x7e: {  	_ =	shalt  }
0x7f: {  	_ =	shalt  }
0x80: {  	_ =	shalt  }
0x81: {  	_ =	shalt  }
0x82: {  	_ =	shalt  }
0x83: {  	_ =	shalt  }
0x84: {  	_ =	shalt  }
0x85: {  	_ =	shalt  }
0x86: {  	_ =	shalt  }
0x87: {  	_ =	shalt  }
.Lfunc_end0:
.L_simem_size_0:
called_computation_lowered:
.L_overlay_start_0:
0x88: {  	s2 =	sld [smem:$0x3FD9]  }
0x89: {  	s3 =	sld [smem:$0x3FFE];
	_ =	sdelay $0x1  }
0x8a: {  	s1 =	srdreg.scid  }
0x8b: {  	s0 =	sand.u32 $0x1, s1  }
0x8c: {  	s14 =	sshll.u32 s0, $0xA;
	s2 =	sadd.s32 s3, s2  }
0x8d: {  	s2 =	sadd.s32 s2, s14  }
0x8e: {  	[smem:$0x3FB9] =	sst s2  }
0x8f: {  	_ = 	snop  }
0x90: {  	s2 =	sld [smem:$0x3FD0];
	_ =	sdelay $0x2  }
0x91: {  	s15 =	simm.s32 $0xA;
	s4 =	simm.s32 $0x10  }
0x92: {  	[smem:s4], [sflag:s15] =	dma.local [hbm:s2], $0x1  }
0x93: {  	_ =	swait.eq [sflag:s15], $0x1  }
0x94: {  	[sflag:s15] =	ssyncset.done $0x0  }
0x95: {  	[sflag:s15] =	ssyncadd.s32 $0xFFFFFFFF  }
0x96: {  	s16 =	sld [smem:$0x11];
	(tm) =	ssettm $0x1  }
0x97: {  	s17 =	sld [smem:$0x3FFB];
	_ =	sdelay $0x3  }
0x98: {  	_ =	strace s17  }
0x99: {  	s3 =	sld [smem:$0x3FFC];
	_ =	sdelay $0x3  }
0x9a: {  	_ =	strace s3  }
0x9b: {  	s3 =	sld [smem:$0x3FFD];
	_ =	sdelay $0x3  }
0x9c: {  	_ =	strace s3  }
0x9d: {  	_ =	strace $0x8FFFFFFF  }
0x9e: {  	s18 =	sld [smem:$0x3FDB];
	_ =	sdelay $0x1  }
0x9f: {  	s19 =	simm.s32 $_scs_section_size  }
0xa0: {  	s5 =	simm.s32 $_size__tile_overlayer_lowered;
	s6 =	simm.s32 $_tile_overlayer_lowered  }
0xa1: {  	s22 =	simm.s32 $0x1BFF;
	s21 =	sshll.u32 s6, $0x1;
	s3 =	sadd.s32 s19, s18  }
0xa2: {  	s7 =	simm.s32 $0x0;
	s20 =	sshll.u32 s5, $0x1;
	s5 =	sadd.s32 s21, s3  }
0xa3: {  	[timem:s7], [sflag:s22] =	dma.local [hbm:s5], s20  }
0xa4: {  	_ =	swait.ge [sflag:s22], s20  }
0xa5: {  	s4 =	ssub.s32 $0x0, s20;
	[sflag:s22] =	ssyncset.done $0x0  }
0xa6: {  	[sflag:s22] =	ssyncadd.s32 s4;
	_ =	sdelay $0x1  }
0xa7: {  	s23 =	simm.s32 $0x1B8B  }
0xa8: {  	_ =	swait.ge [sflag:s23], $0x1  }
0xa9: {  	[sflag:s23] =	ssyncset.done $0x0  }
0xaa: {  	s25 =	simm.s32 $0x1B8E;
	s24 =	sld [smem:$0x3FFE];
	[sflag:s23] =	ssyncadd.s32 $0xFFFFFFFF  }
0xab: {  	s26 =	simm.s32 $execute0_lowered;
	[smem:$0x3FD2] =	sst s25  }
0xac: {  	s5 =	sshll.u32 s26, $0x1;
	_ =	strace $0x80000046;
	[dreg:$0x1] =	wrdreg $0xFFFFFFFF  }
0xad: {  	s28 =	simm.s32 $_size_execute0_lowered;
	s3 =	sadd.s32 s3, s5;
	[dreg:$0x0] =	wrdreg $0x0  }
0xae: {  	s5 =	sshll.u32 s28, $0x1;
	[dreg:$0x2] =	wrdreg s3  }
0xaf: {  	[dreg:$0x3] =	wrdreg s5  }
0xb0: {  	[dreg:$0x4] =	wrdreg $0xC0  }
0xb1: {  	_ =	task [dreg:s7], $0x5FFFF  }
0xb2: {  	[dreg:$0x1] =	wrdreg $0xFFFFFFFF  }
0xb3: {  	[dreg:$0x0] =	wrdreg $0x60  }
0xb4: {  	[dreg:$0x2] =	wrdreg s24  }
0xb5: {  	[dreg:$0x3] =	wrdreg s16  }
0xb6: {  	[dreg:$0x4] =	wrdreg $0x9  }
0xb7: {  	_ =	task.clear_ibuf [dreg:s7], $0x5FFFF;
	_ =	strace $0x90000046  }
0xb8: {  	s29 =	simm.s32 $0x9;
	_ =	strace $0x80000048  }
0xb9: {  	_ =	swait.ge [sflag:s29], $0x1  }
0xba: {  	[sflag:s29] =	ssyncadd.s32 $0xFFFFFFFF  }
0xbb: {  	_ =	strace $0x90000048  }
0xbc: {  	_ =	sfence  }
0xbd: {  	s30 =	sld [smem:$0x0];
	_ =	sdelay $0x2  }
0xbe: {  	s31 =	sshll.u32 s1, $0xD;
	s1 =	sshrl.u32 s1, $0x2  }
0xbf: {  	s3 =	sand.u32 $0x4000, s31;
	s1 =	sadd.s32 s1, s30  }
0xc0: {  	s0 =	sor.u32 s3, s0;
	s1 =	sshll.u32 s1, $0x11  }
0xc1: {  	s0 =	sor.u32 s1, s0  }
0xc2: {  	s0 =	sadd.s32 $0x8F2B, s0  }
0xc3: {  	[sflag:s0] =	ssyncadd.remote.s32 $0x1  }
0xc4: {  	_ =	sfence.sel $0xFFFF  }
0xc5: {  	[dreg:$0x0] =	wrdreg $0xFFFFFFFF;
	(pc) =	sbr.abs _section_cstart, $3  }
0xc6: {  	[dreg:$0x1] =	wrdreg $0xFFFFFFFF  }
0xc7: {  	_ =	task.clear_ibuf [dreg:s7], $0x2FFFF;
	_ =	strace $0x9FFFFFFF  }
0xc8: {  	(tm) =	ssettm $0x7FFFFFFF  }
0xc9: {  	_ =	shalt  }
tec
execute0_lowered:
.L_overlay_start_1:
0x0: {  	(tag) =	ssettag $0x1  }
0x1: {  	s4 =	rddreg [dreg:$0x0]  }
0x2: {  	s5 =	rddreg [dreg:$0x1]  }
0x3: {  	s0 =	rddreg [dreg:$0x2];
	s1 =	simm.s32 $0x0  }
0x4: {  	s6 =	srdreg.scid;
	s2 =	stileid.u32;
	s10 =	simm.s32 $0x1  }
0x5: {  	s11 =	simm.s32 $0x6000;
	s12 =	simm.s32 $0x2;
	s13 =	simm.s32 $0x0  }
0x6: {  	[smem:$0x7FF] =	sst s1;
	s3 =	sadd.s32 $0x2E00, s4;
	s6 =	sand.u32 $0x1, s6  }
0x7: {  	s7 =	sshll.u32 s2, $0x12;
	s8 =	sshll.u32 s2, $0xE;
	_ =	strace $0x80000047  }
0x8: {  	s9 =	sshll.u32 s6, $0xD;
	s7 =	sadd.s32 s7, s4;
	s30 =	ssub.s32 $0x2, s6  }
0x9: {  	s6 =	sshll.u32 s6, $0x11;
	s8 =	sor.u32 s9, s8;
	s31 =	sshrl.u32 s30, $0x1  }
0xa: {  	s6 =	sadd.s32 s6, s7;
	s7 =	simm.s32 $0x3;
	s8 =	sshrl.u32 s8, $0x3  }
0xb: {  	s9 =	ssub.s32 s30, s31;
	s6 =	sadd.s32 $0x82E00, s6;
	s4 =	sadd.s32 s5, s8  }
0xc: {  	s5 =	smax.u32 s9, $0x1;
	s8 =	simm.s32 $0x80;
	s9 =	simm.s32 $0x2000  }
.LBB2_1:
0xd: {  	[tilespmem:s1], [sflag:$0x3] =	stream.linear.gather [hbm4b:s4+s1], $0x2000, $0x38;
	[tilespmem:$0xA000] =	vst v63  }
0xe: {  	_ =	swait.ge [sflag:s7], $0x2000  }
0xf: {  	[sflag:s7] =	ssyncset.done $0x0  }
0x10: {  	s14 =	simm.s32 $0x0;
	[sflag:s7] =	ssyncadd.s32 $0xFFFFE000  }
0x11: {  	[tilespmem:s9], [sflag:$0x1] =	stream.indirect.gather [hbm4b:s3+s8], $0x80, s14, s8, $0xb8;
	[tilespmem:$0xA000] =	vst v63  }
0x12: {  	_ =	swait.ge [sflag:s10], $0x4000  }
0x13: {  	[sflag:s10] =	ssyncset.done $0x0  }
0x14: {  	[sflag:s10] =	ssyncadd.s32 $0xFFFFC000  }
0x15: {  	[hbm4b:s6+s1] =	stream.linear.scatter [tilespmem:s9], [sflag:$0x3], $0x4000, $0x38;
	[tilespmem:$0xA000] =	vst v63  }
0x16: {  	_ =	swait.ge [sflag:s7], $0x4000  }
0x17: {  	[sflag:s7] =	ssyncset.done $0x0  }
0x18: {  	s30 =	simm.s32 $0x80;
	[sflag:s7] =	ssyncadd.s32 $0xFFFFC000  }
0x19: {  	[tilespmem:s11], [sflag:$0x2] =	stream.indirect.gather [hbm4b:s3+s8], $0x80, s30, s8, $0xb8;
	[tilespmem:$0xA000] =	vst v63  }
0x1a: {  	_ =	swait.ge [sflag:s12], $0x4000  }
0x1b: {  	[sflag:s12] =	ssyncset.done $0x0  }
0x1c: {  	s31 =	sadd.s32 $0x800, s6;
	[sflag:s12] =	ssyncadd.s32 $0xFFFFC000  }
0x1d: {  	[hbm4b:s31+s1] =	stream.linear.scatter [tilespmem:s11], [sflag:$0x3], $0x4000, $0x38;
	[tilespmem:$0xA000] =	vst v63  }
0x1e: {  	s15 =	simm.s32 $0x400;
	_ =	swait.ge [sflag:s7], $0x4000  }
0x1f: {  	s16 =	simm.s32 $0x800;
	s14 =	sadd.s32 $0x1000, s6;
	[sflag:s7] =	ssyncset.done $0x0  }
.LBB2_2:
0x20: {  	s17 =	sshra.s32 s15, $0x2  }
0x21: {  	[sflag:s7] =	ssyncadd.s32 $0xFFFFC000;
	s15 =	smov.u32 s16;
	s18 =	sadd.s32 $0x400, s16  }
0x22: {  	[tilespmem:s9], [sflag:$0x1] =	stream.indirect.gather [hbm4b:s3+s8], $0x80, s17, s8, $0xb8;
	[tilespmem:$0xA000] =	vst v63  }
0x23: {  	p0 =	sne.s32 s16, $0x7C00;
	_ =	swait.ge [sflag:s10], $0x4000  }
0x24: {  	[sflag:s10] =	ssyncset.done $0x0  }
0x25: {  	[sflag:s10] =	ssyncadd.s32 $0xFFFFC000  }
0x26: {  	[hbm4b:s14+s1] =	stream.linear.scatter [tilespmem:s9], [sflag:$0x3], $0x4000, $0x38;
	[tilespmem:$0xA000] =	vst v63  }
0x27: {  	_ =	swait.ge [sflag:s7], $0x4000  }
0x28: {  	[sflag:s7] =	ssyncset.done $0x0  }
0x29: {  	s16 =	sadd.s32 $0x80, s17;
	[sflag:s7] =	ssyncadd.s32 $0xFFFFC000  }
0x2a: {  	[tilespmem:s11], [sflag:$0x2] =	stream.indirect.gather [hbm4b:s3+s8], $0x80, s16, s8, $0xb8;
	[tilespmem:$0xA000] =	vst v63  }
0x2b: {  	_ =	swait.ge [sflag:s12], $0x4000  }
.Ltmp0:
0x2c: {  	[sflag:s12] =	ssyncset.done $0x0;
	(pc) =	sbr.rel @p0 .LBB2_2-.Ltmp0, $4  }
0x2d: {  	s16 =	sadd.s32 $0x800, s14;
	[sflag:s12] =	ssyncadd.s32 $0xFFFFC000  }
0x2e: {  	[hbm4b:s16+s1] =	stream.linear.scatter [tilespmem:s11], [sflag:$0x3], $0x4000, $0x38;
	[tilespmem:$0xA000] =	vst v63  }
0x2f: {  	_ =	swait.ge [sflag:s7], $0x4000  }
0x30: {  	s14 =	sadd.s32 $0x1000, s14;
	s16 =	smov.u32 s18;
	[sflag:s7] =	ssyncset.done $0x0  }
0x31: {  	s15 =	sshra.s32 s15, $0x2;
	[sflag:s7] =	ssyncadd.s32 $0xFFFFC000  }
0x32: {  	[tilespmem:s9], [sflag:$0x1] =	stream.indirect.gather [hbm4b:s3+s8], $0x80, s15, s8, $0xb8;
	[tilespmem:$0xA000] =	vst v63  }
0x33: {  	_ =	swait.ge [sflag:s10], $0x4000  }
0x34: {  	[sflag:s10] =	ssyncset.done $0x0  }
0x35: {  	[sflag:s10] =	ssyncadd.s32 $0xFFFFC000  }
0x36: {  	[hbm4b:s14+s1] =	stream.linear.scatter [tilespmem:s9], [sflag:$0x3], $0x4000, $0x38;
	[tilespmem:$0xA000] =	vst v63  }
0x37: {  	_ =	swait.ge [sflag:s7], $0x4000  }
0x38: {  	[sflag:s7] =	ssyncset.done $0x0  }
0x39: {  	s15 =	sadd.s32 $0x80, s15;
	[sflag:s7] =	ssyncadd.s32 $0xFFFFC000  }
0x3a: {  	[tilespmem:s11], [sflag:$0x2] =	stream.indirect.gather [hbm4b:s3+s8], $0x80, s15, s8, $0xb8;
	[tilespmem:$0xA000] =	vst v63  }
0x3b: {  	s13 =	sadd.s32 $0x1, s13;
	_ =	swait.ge [sflag:s12], $0x4000  }
0x3c: {  	p0 =	sne.s32 s13, s5;
	[sflag:s12] =	ssyncset.done $0x0  }
.Ltmp1:
0x3d: {  	s31 =	sadd.s32 $0x800, s14;
	[sflag:s12] =	ssyncadd.s32 $0xFFFFC000;
	(pc) =	sbr.rel @p0 .LBB2_1-.Ltmp1, $4  }
0x3e: {  	[hbm4b:s31+s1] =	stream.linear.scatter [tilespmem:s11], [sflag:$0x3], $0x4000, $0x38;
	[tilespmem:$0xA000] =	vst v63  }
0x3f: {  	_ =	swait.ge [sflag:s7], $0x4000  }
0x40: {  	[sflag:s7] =	ssyncset.done $0x0  }
0x41: {  	[sflag:s7] =	ssyncadd.s32 $0xFFFFC000  }
0x42: {  	_ =	sfence.sel $0x180000  }
0x43: {  	[bflag:$0x0] =	sbarrier.arrive $0xFFFF  }
0x44: {  	p0 =	sne.s32 s2, $0x0;
	_ =	strace $0x90000047  }
0x45: {  	s0 =	sadd.s32 @!p0 $0x100000, s0;
	[bflag:$0x2] =	sbarrier.arrive $0xFFFF  }
0x46: {  	[sflag:s0] =	ssyncadd.tile.s32 @!p0 $0x1;
	_ =	shalt  }
.Lfunc_end2:
_tile_overlayer_lowered:
.L_overlay_start_2:
0x47: {  	(tag) =	ssettag $0x2  }
0x48: {  	s0 =	rddreg [dreg:$0x0];
	s2 =	stileid.u32  }
0x49: {  	s1 =	rddreg [dreg:$0x1];
	p0 =	sne.s32 s2, $0x0  }
0x4a: {  	s3 =	rddreg [dreg:$0x2];
	[bflag:$0x3] =	sbarrier.arrive $0xFFFF;
	s2 =	simm.s32 @!p0 $0x1C03  }
0x4b: {  	[timem:s3], [sflag:s2] =	dma.local @!p0 [hbm:s0], s1  }
0x4c: {  	s0 =	simm.s32 @!p0 $0x3  }
0x4d: {  	_ =	swait.ge @!p0 [sflag:s0], s1  }
0x4e: {  	s1 =	ssub.s32 @!p0 $0x0, s1;
	[sflag:s0] =	ssyncset.done @!p0 $0x0  }
0x4f: {  	[sflag:s0] =	ssyncadd.s32 @!p0 s1  }
0x50: {  	[bflag:$0x3] =	sbarrier.arrive $0xFFFF  }
0x51: {  	_ =	shalt  }

</sc_bundles>
